<compile_context>
chip_gen: v7x
topology: tpu7x:2x2x1
jax: 0.10.2.dev20260603
libtpu: 0.0.44.dev20260713+nightly
codegen_flags: <defaults>
</compile_context>

<pallas_src>
import functools

import jax
import jax.numpy as jnp
from jax import lax
from jax.experimental import pallas as pl
from jax.experimental.pallas import tpu as pltpu
from jax.experimental.pallas import tpu_sc as plsc


def _broadcast_table(table, B):
    L, F = table.shape
    info = plsc.get_sparse_core_info()
    NC, NS = info.num_cores, info.num_subcores
    NW = NC * NS
    rows_per = L // NW
    assert rows_per * NW == L and (rows_per * F) % 8 == 0

    mesh = plsc.VectorSubcoreMesh(core_axis_name="c", subcore_axis_name="s")

    @functools.partial(
        pl.kernel,
        mesh=mesh,
        out_type=jax.ShapeDtypeStruct((B, L, F), table.dtype),
        scratch_types=[
            pltpu.VMEM((rows_per, F), table.dtype),
            pltpu.SemaphoreType.DMA,
            pltpu.SemaphoreType.DMA,
        ],
    )
    def k(table_hbm, out_hbm, buf, sem_r, sem_w):
        wid = lax.axis_index("s") * NC + lax.axis_index("c")
        base = wid * rows_per
        nchunks = 4
        ch = rows_per // nchunks
        reads = [
            pltpu.async_copy(
                table_hbm.at[pl.ds(base + i * ch, ch)],
                buf.at[pl.ds(i * ch, ch)], sem_r)
            for i in range(nchunks)
        ]
        writes = []
        for i in range(nchunks):
            reads[i].wait()
            for b in range(B):
                writes.append(pltpu.async_copy(
                    buf.at[pl.ds(i * ch, ch)],
                    out_hbm.at[b].at[pl.ds(base + i * ch, ch)], sem_w))
        for w in writes:
            w.wait()

    return k(table)


def kernel(x, table):
    B = x.shape[0]
    return _broadcast_table(table, B)

# --- scband reference (transcript-rebuilt; emitter-appended) ---
"""Pipeline reference for scband-fixed-embedding-8040178778717 (READ-ONLY COPY).

The authoritative reference and input builder live on the scoring server;
editing this copy changes nothing except your own understanding.
"""

import jax, jax.numpy as jnp
import numpy as np

MAX_LENGTH = 8192
FEATURES = 128

def setup_inputs(seed: int = 0) -> dict:
    key = jax.random.key(seed)
    k1, k2 = jax.random.split(key)
    x = jax.random.normal(k1, (4, 8192), dtype=jnp.float32)
    table = jax.random.normal(k2, (MAX_LENGTH, FEATURES), dtype=jnp.float32) * 0.02
    return {"x": x, "table": table}

def reference(x, table):
    B, L = x.shape[0], x.shape[1]
    pos = jnp.arange(L)
    pe = jnp.take(table, pos, axis=0)  # [L, F]
    pe = jnp.broadcast_to(pe[None, :, :], (B, L, pe.shape[-1]))
    return pe

if __name__ == "__main__":
    import jax
    _d = setup_inputs()
    print(jax.jit(kernel)(*tuple(_d.values())))

</pallas_src>

<mosaic_0001>
#map = affine_map<(d0, d1) -> (0, 0)>
#map1 = affine_map<(d0, d1) -> (0, 0, 0)>
module attributes {stable_mosaic.version = 14 : i64} {
  func.func @k(%arg0: i32, %arg1: i32, %arg2: memref<8192x128xf32, #tpu.memory_space<hbm>>, %arg3: memref<4x8192x128xf32, #tpu.memory_space<hbm>>, %arg4: memref<256x128xf32, #tpu.memory_space<vmem>>, %arg5: memref<!tpu.dma_semaphore, #tpu.memory_space<semaphore_mem>>, %arg6: memref<!tpu.dma_semaphore, #tpu.memory_space<semaphore_mem>>) attributes {dimension_semantics = [#tpu.dimension_semantics<core_parallel>, #tpu.dimension_semantics<subcore_parallel>], iteration_bounds = array<i64: 2, 16>, scalar_prefetch = 0 : i64, scratch_operands = 3 : i64, tpu.core_type = #tpu.core_type<sc_vector_subcore>, window_params = [{transform_indices = #map}, {transform_indices = #map1}]} {
    %mul3A = arith.constant 2 : i32
    %mul3A_0 = arith.muli %arg1, %mul3A : i32
    %add3A = arith.addi %mul3A_0, %arg0 : i32
    %mul3A_1 = arith.constant 256 : i32
    %mul3A_2 = arith.muli %add3A, %mul3A_1 : i32
    %add3A_3 = arith.constant 0 : i32
    %add3A_4 = arith.addi %mul3A_2, %add3A_3 : i32
    %dma_start3A = arith.constant 0 : i32
    %dma_start3A_5 = arith.constant 0 : i32
    %dma_start3A_6 = tpu.memref_slice %arg4[%dma_start3A, %dma_start3A_5] : memref<256x128xf32, #tpu.memory_space<vmem>> -> memref<64x128xf32, #tpu.memory_space<vmem>>
    %dma_start3A_7 = arith.constant 0 : i32
    %dma_start3A_8 = tpu.memref_slice %arg2[%add3A_4, %dma_start3A_7] : memref<8192x128xf32, #tpu.memory_space<hbm>> -> memref<64x128xf32, #tpu.memory_space<hbm>>
    %dma_start3A_9 = arith.constant 0 : i32
    %dma_start3A_10 = arith.constant 0 : i32
    %dma_start3A_11 = tpu.memref_slice %arg4[%dma_start3A_9, %dma_start3A_10] : memref<256x128xf32, #tpu.memory_space<vmem>> -> memref<64x128xf32, #tpu.memory_space<vmem>>
    %dma_start3A_12 = arith.constant 0 : i32
    %dma_start3A_13 = tpu.memref_slice %arg2[%add3A_4, %dma_start3A_12] : memref<8192x128xf32, #tpu.memory_space<hbm>> -> memref<64x128xf32, #tpu.memory_space<hbm>>
    tpu.enqueue_dma source(%dma_start3A_13 : memref<64x128xf32, #tpu.memory_space<hbm>>) target(%dma_start3A_11 : memref<64x128xf32, #tpu.memory_space<vmem>>) target_semaphore(%arg5 : memref<!tpu.dma_semaphore, #tpu.memory_space<semaphore_mem>>)
    %add3A_14 = arith.constant 64 : i32
    %add3A_15 = arith.addi %mul3A_2, %add3A_14 : i32
    %dma_start3A_16 = arith.constant 64 : i32
    %dma_start3A_17 = arith.constant 0 : i32
    %dma_start3A_18 = tpu.memref_slice %arg4[%dma_start3A_16, %dma_start3A_17] : memref<256x128xf32, #tpu.memory_space<vmem>> -> memref<64x128xf32, #tpu.memory_space<vmem>>
    %dma_start3A_19 = arith.constant 0 : i32
    %dma_start3A_20 = tpu.memref_slice %arg2[%add3A_15, %dma_start3A_19] : memref<8192x128xf32, #tpu.memory_space<hbm>> -> memref<64x128xf32, #tpu.memory_space<hbm>>
    %dma_start3A_21 = arith.constant 64 : i32
    %dma_start3A_22 = arith.constant 0 : i32
    %dma_start3A_23 = tpu.memref_slice %arg4[%dma_start3A_21, %dma_start3A_22] : memref<256x128xf32, #tpu.memory_space<vmem>> -> memref<64x128xf32, #tpu.memory_space<vmem>>
    %dma_start3A_24 = arith.constant 0 : i32
    %dma_start3A_25 = tpu.memref_slice %arg2[%add3A_15, %dma_start3A_24] : memref<8192x128xf32, #tpu.memory_space<hbm>> -> memref<64x128xf32, #tpu.memory_space<hbm>>
    tpu.enqueue_dma source(%dma_start3A_25 : memref<64x128xf32, #tpu.memory_space<hbm>>) target(%dma_start3A_23 : memref<64x128xf32, #tpu.memory_space<vmem>>) target_semaphore(%arg5 : memref<!tpu.dma_semaphore, #tpu.memory_space<semaphore_mem>>)
    %add3A_26 = arith.constant 128 : i32
    %add3A_27 = arith.addi %mul3A_2, %add3A_26 : i32
    %dma_start3A_28 = arith.constant 128 : i32
    %dma_start3A_29 = arith.constant 0 : i32
    %dma_start3A_30 = tpu.memref_slice %arg4[%dma_start3A_28, %dma_start3A_29] : memref<256x128xf32, #tpu.memory_space<vmem>> -> memref<64x128xf32, #tpu.memory_space<vmem>>
    %dma_start3A_31 = arith.constant 0 : i32
    %dma_start3A_32 = tpu.memref_slice %arg2[%add3A_27, %dma_start3A_31] : memref<8192x128xf32, #tpu.memory_space<hbm>> -> memref<64x128xf32, #tpu.memory_space<hbm>>
    %dma_start3A_33 = arith.constant 128 : i32
    %dma_start3A_34 = arith.constant 0 : i32
    %dma_start3A_35 = tpu.memref_slice %arg4[%dma_start3A_33, %dma_start3A_34] : memref<256x128xf32, #tpu.memory_space<vmem>> -> memref<64x128xf32, #tpu.memory_space<vmem>>
    %dma_start3A_36 = arith.constant 0 : i32
    %dma_start3A_37 = tpu.memref_slice %arg2[%add3A_27, %dma_start3A_36] : memref<8192x128xf32, #tpu.memory_space<hbm>> -> memref<64x128xf32, #tpu.memory_space<hbm>>
    tpu.enqueue_dma source(%dma_start3A_37 : memref<64x128xf32, #tpu.memory_space<hbm>>) target(%dma_start3A_35 : memref<64x128xf32, #tpu.memory_space<vmem>>) target_semaphore(%arg5 : memref<!tpu.dma_semaphore, #tpu.memory_space<semaphore_mem>>)
    %add3A_38 = arith.constant 192 : i32
    %add3A_39 = arith.addi %mul3A_2, %add3A_38 : i32
    %dma_start3A_40 = arith.constant 192 : i32
    %dma_start3A_41 = arith.constant 0 : i32
    %dma_start3A_42 = tpu.memref_slice %arg4[%dma_start3A_40, %dma_start3A_41] : memref<256x128xf32, #tpu.memory_space<vmem>> -> memref<64x128xf32, #tpu.memory_space<vmem>>
    %dma_start3A_43 = arith.constant 0 : i32
    %dma_start3A_44 = tpu.memref_slice %arg2[%add3A_39, %dma_start3A_43] : memref<8192x128xf32, #tpu.memory_space<hbm>> -> memref<64x128xf32, #tpu.memory_space<hbm>>
    %dma_start3A_45 = arith.constant 192 : i32
    %dma_start3A_46 = arith.constant 0 : i32
    %dma_start3A_47 = tpu.memref_slice %arg4[%dma_start3A_45, %dma_start3A_46] : memref<256x128xf32, #tpu.memory_space<vmem>> -> memref<64x128xf32, #tpu.memory_space<vmem>>
    %dma_start3A_48 = arith.constant 0 : i32
    %dma_start3A_49 = tpu.memref_slice %arg2[%add3A_39, %dma_start3A_48] : memref<8192x128xf32, #tpu.memory_space<hbm>> -> memref<64x128xf32, #tpu.memory_space<hbm>>
    tpu.enqueue_dma source(%dma_start3A_49 : memref<64x128xf32, #tpu.memory_space<hbm>>) target(%dma_start3A_47 : memref<64x128xf32, #tpu.memory_space<vmem>>) target_semaphore(%arg5 : memref<!tpu.dma_semaphore, #tpu.memory_space<semaphore_mem>>)
    %dma_wait3A = arith.constant 0 : i32
    %dma_wait3A_50 = arith.constant 0 : i32
    %dma_wait3A_51 = tpu.memref_slice %arg4[%dma_wait3A, %dma_wait3A_50] : memref<256x128xf32, #tpu.memory_space<vmem>> -> memref<64x128xf32, #tpu.memory_space<vmem>>
    %dma_wait3A_52 = arith.constant 0 : i32
    %dma_wait3A_53 = tpu.memref_slice %arg2[%add3A_4, %dma_wait3A_52] : memref<8192x128xf32, #tpu.memory_space<hbm>> -> memref<64x128xf32, #tpu.memory_space<hbm>>
    %dma_wait3A_54 = arith.constant 0 : i32
    %dma_wait3A_55 = arith.constant 0 : i32
    %dma_wait3A_56 = tpu.memref_slice %arg4[%dma_wait3A_54, %dma_wait3A_55] : memref<256x128xf32, #tpu.memory_space<vmem>> -> memref<64x128xf32, #tpu.memory_space<vmem>>
    %dma_wait3A_57 = arith.constant 0 : i32
    %dma_wait3A_58 = tpu.memref_slice %arg2[%add3A_4, %dma_wait3A_57] : memref<8192x128xf32, #tpu.memory_space<hbm>> -> memref<64x128xf32, #tpu.memory_space<hbm>>
    tpu.wait_dma2 semaphore(%arg5 : memref<!tpu.dma_semaphore, #tpu.memory_space<semaphore_mem>>) src(%dma_wait3A_58 : memref<64x128xf32, #tpu.memory_space<hbm>>) dst(%dma_wait3A_56 : memref<64x128xf32, #tpu.memory_space<vmem>>)
    %add3A_59 = arith.constant 0 : i32
    %add3A_60 = arith.addi %mul3A_2, %add3A_59 : i32
    %dma_start3A_61 = arith.constant 0 : i32
    %dma_start3A_62 = arith.constant 0 : i32
    %dma_start3A_63 = arith.constant 0 : i32
    %dma_start3A_64 = tpu.memref_slice %arg4[%dma_start3A_62, %dma_start3A_63] : memref<256x128xf32, #tpu.memory_space<vmem>> -> memref<64x128xf32, #tpu.memory_space<vmem>>
    %dma_start3A_65 = arith.constant 0 : i32
    %dma_start3A_66 = arith.constant 0 : i32
    %dma_start3A_67 = tpu.memref_slice %arg3[%dma_start3A_61, %dma_start3A_65, %dma_start3A_66] : memref<4x8192x128xf32, #tpu.memory_space<hbm>> -> memref<1x8192x128xf32, #tpu.memory_space<hbm>>
    %dma_start3A_68 = tpu.memref_squeeze %dma_start3A_67 : memref<1x8192x128xf32, #tpu.memory_space<hbm>> -> memref<8192x128xf32, #tpu.memory_space<hbm>>
    %dma_start3A_69 = arith.constant 0 : i32
    %dma_start3A_70 = tpu.memref_slice %dma_start3A_68[%add3A_60, %dma_start3A_69] : memref<8192x128xf32, #tpu.memory_space<hbm>> -> memref<64x128xf32, #tpu.memory_space<hbm>>
    %dma_start3A_71 = arith.constant 0 : i32
    %dma_start3A_72 = arith.constant 0 : i32
    %dma_start3A_73 = tpu.memref_slice %arg3[%dma_start3A_61, %dma_start3A_71, %dma_start3A_72] : memref<4x8192x128xf32, #tpu.memory_space<hbm>> -> memref<1x8192x128xf32, #tpu.memory_space<hbm>>
    %dma_start3A_74 = tpu.memref_squeeze %dma_start3A_73 : memref<1x8192x128xf32, #tpu.memory_space<hbm>> -> memref<8192x128xf32, #tpu.memory_space<hbm>>
    %dma_start3A_75 = arith.constant 0 : i32
    %dma_start3A_76 = tpu.memref_slice %dma_start3A_74[%add3A_60, %dma_start3A_75] : memref<8192x128xf32, #tpu.memory_space<hbm>> -> memref<64x128xf32, #tpu.memory_space<hbm>>
    %dma_start3A_77 = arith.constant 0 : i32
    %dma_start3A_78 = arith.constant 0 : i32
    %dma_start3A_79 = tpu.memref_slice %arg4[%dma_start3A_77, %dma_start3A_78] : memref<256x128xf32, #tpu.memory_space<vmem>> -> memref<64x128xf32, #tpu.memory_space<vmem>>
    tpu.enqueue_dma source(%dma_start3A_79 : memref<64x128xf32, #tpu.memory_space<vmem>>) target(%dma_start3A_76 : memref<64x128xf32, #tpu.memory_space<hbm>>) target_semaphore(%arg6 : memref<!tpu.dma_semaphore, #tpu.memory_space<semaphore_mem>>)
    %add3A_80 = arith.constant 0 : i32
    %add3A_81 = arith.addi %mul3A_2, %add3A_80 : i32
    %dma_start3A_82 = arith.constant 1 : i32
    %dma_start3A_83 = arith.constant 0 : i32
    %dma_start3A_84 = arith.constant 0 : i32
    %dma_start3A_85 = tpu.memref_slice %arg4[%dma_start3A_83, %dma_start3A_84] : memref<256x128xf32, #tpu.memory_space<vmem>> -> memref<64x128xf32, #tpu.memory_space<vmem>>
    %dma_start3A_86 = arith.constant 0 : i32
    %dma_start3A_87 = arith.constant 0 : i32
    %dma_start3A_88 = tpu.memref_slice %arg3[%dma_start3A_82, %dma_start3A_86, %dma_start3A_87] : memref<4x8192x128xf32, #tpu.memory_space<hbm>> -> memref<1x8192x128xf32, #tpu.memory_space<hbm>>
    %dma_start3A_89 = tpu.memref_squeeze %dma_start3A_88 : memref<1x8192x128xf32, #tpu.memory_space<hbm>> -> memref<8192x128xf32, #tpu.memory_space<hbm>>
    %dma_start3A_90 = arith.constant 0 : i32
    %dma_start3A_91 = tpu.memref_slice %dma_start3A_89[%add3A_81, %dma_start3A_90] : memref<8192x128xf32, #tpu.memory_space<hbm>> -> memref<64x128xf32, #tpu.memory_space<hbm>>
    %dma_start3A_92 = arith.constant 0 : i32
    %dma_start3A_93 = arith.constant 0 : i32
    %dma_start3A_94 = tpu.memref_slice %arg3[%dma_start3A_82, %dma_start3A_92, %dma_start3A_93] : memref<4x8192x128xf32, #tpu.memory_space<hbm>> -> memref<1x8192x128xf32, #tpu.memory_space<hbm>>
    %dma_start3A_95 = tpu.memref_squeeze %dma_start3A_94 : memref<1x8192x128xf32, #tpu.memory_space<hbm>> -> memref<8192x128xf32, #tpu.memory_space<hbm>>
    %dma_start3A_96 = arith.constant 0 : i32
    %dma_start3A_97 = tpu.memref_slice %dma_start3A_95[%add3A_81, %dma_start3A_96] : memref<8192x128xf32, #tpu.memory_space<hbm>> -> memref<64x128xf32, #tpu.memory_space<hbm>>
    %dma_start3A_98 = arith.constant 0 : i32
    %dma_start3A_99 = arith.constant 0 : i32
    %dma_start3A_100 = tpu.memref_slice %arg4[%dma_start3A_98, %dma_start3A_99] : memref<256x128xf32, #tpu.memory_space<vmem>> -> memref<64x128xf32, #tpu.memory_space<vmem>>
    tpu.enqueue_dma source(%dma_start3A_100 : memref<64x128xf32, #tpu.memory_space<vmem>>) target(%dma_start3A_97 : memref<64x128xf32, #tpu.memory_space<hbm>>) target_semaphore(%arg6 : memref<!tpu.dma_semaphore, #tpu.memory_space<semaphore_mem>>)
    %add3A_101 = arith.constant 0 : i32
    %add3A_102 = arith.addi %mul3A_2, %add3A_101 : i32
    %dma_start3A_103 = arith.constant 2 : i32
    %dma_start3A_104 = arith.constant 0 : i32
    %dma_start3A_105 = arith.constant 0 : i32
    %dma_start3A_106 = tpu.memref_slice %arg4[%dma_start3A_104, %dma_start3A_105] : memref<256x128xf32, #tpu.memory_space<vmem>> -> memref<64x128xf32, #tpu.memory_space<vmem>>
    %dma_start3A_107 = arith.constant 0 : i32
    %dma_start3A_108 = arith.constant 0 : i32
    %dma_start3A_109 = tpu.memref_slice %arg3[%dma_start3A_103, %dma_start3A_107, %dma_start3A_108] : memref<4x8192x128xf32, #tpu.memory_space<hbm>> -> memref<1x8192x128xf32, #tpu.memory_space<hbm>>
    %dma_start3A_110 = tpu.memref_squeeze %dma_start3A_109 : memref<1x8192x128xf32, #tpu.memory_space<hbm>> -> memref<8192x128xf32, #tpu.memory_space<hbm>>
    %dma_start3A_111 = arith.constant 0 : i32
    %dma_start3A_112 = tpu.memref_slice %dma_start3A_110[%add3A_102, %dma_start3A_111] : memref<8192x128xf32, #tpu.memory_space<hbm>> -> memref<64x128xf32, #tpu.memory_space<hbm>>
    %dma_start3A_113 = arith.constant 0 : i32
    %dma_start3A_114 = arith.constant 0 : i32
    %dma_start3A_115 = tpu.memref_slice %arg3[%dma_start3A_103, %dma_start3A_113, %dma_start3A_114] : memref<4x8192x128xf32, #tpu.memory_space<hbm>> -> memref<1x8192x128xf32, #tpu.memory_space<hbm>>
    %dma_start3A_116 = tpu.memref_squeeze %dma_start3A_115 : memref<1x8192x128xf32, #tpu.memory_space<hbm>> -> memref<8192x128xf32, #tpu.memory_space<hbm>>
    %dma_start3A_117 = arith.constant 0 : i32
    %dma_start3A_118 = tpu.memref_slice %dma_start3A_116[%add3A_102, %dma_start3A_117] : memref<8192x128xf32, #tpu.memory_space<hbm>> -> memref<64x128xf32, #tpu.memory_space<hbm>>
    %dma_start3A_119 = arith.constant 0 : i32
    %dma_start3A_120 = arith.constant 0 : i32
    %dma_start3A_121 = tpu.memref_slice %arg4[%dma_start3A_119, %dma_start3A_120] : memref<256x128xf32, #tpu.memory_space<vmem>> -> memref<64x128xf32, #tpu.memory_space<vmem>>
    tpu.enqueue_dma source(%dma_start3A_121 : memref<64x128xf32, #tpu.memory_space<vmem>>) target(%dma_start3A_118 : memref<64x128xf32, #tpu.memory_space<hbm>>) target_semaphore(%arg6 : memref<!tpu.dma_semaphore, #tpu.memory_space<semaphore_mem>>)
    %add3A_122 = arith.constant 0 : i32
    %add3A_123 = arith.addi %mul3A_2, %add3A_122 : i32
    %dma_start3A_124 = arith.constant 3 : i32
    %dma_start3A_125 = arith.constant 0 : i32
    %dma_start3A_126 = arith.constant 0 : i32
    %dma_start3A_127 = tpu.memref_slice %arg4[%dma_start3A_125, %dma_start3A_126] : memref<256x128xf32, #tpu.memory_space<vmem>> -> memref<64x128xf32, #tpu.memory_space<vmem>>
    %dma_start3A_128 = arith.constant 0 : i32
    %dma_start3A_129 = arith.constant 0 : i32
    %dma_start3A_130 = tpu.memref_slice %arg3[%dma_start3A_124, %dma_start3A_128, %dma_start3A_129] : memref<4x8192x128xf32, #tpu.memory_space<hbm>> -> memref<1x8192x128xf32, #tpu.memory_space<hbm>>
    %dma_start3A_131 = tpu.memref_squeeze %dma_start3A_130 : memref<1x8192x128xf32, #tpu.memory_space<hbm>> -> memref<8192x128xf32, #tpu.memory_space<hbm>>
    %dma_start3A_132 = arith.constant 0 : i32
    %dma_start3A_133 = tpu.memref_slice %dma_start3A_131[%add3A_123, %dma_start3A_132] : memref<8192x128xf32, #tpu.memory_space<hbm>> -> memref<64x128xf32, #tpu.memory_space<hbm>>
    %dma_start3A_134 = arith.constant 0 : i32
    %dma_start3A_135 = arith.constant 0 : i32
    %dma_start3A_136 = tpu.memref_slice %arg3[%dma_start3A_124, %dma_start3A_134, %dma_start3A_135] : memref<4x8192x128xf32, #tpu.memory_space<hbm>> -> memref<1x8192x128xf32, #tpu.memory_space<hbm>>
    %dma_start3A_137 = tpu.memref_squeeze %dma_start3A_136 : memref<1x8192x128xf32, #tpu.memory_space<hbm>> -> memref<8192x128xf32, #tpu.memory_space<hbm>>
    %dma_start3A_138 = arith.constant 0 : i32
    %dma_start3A_139 = tpu.memref_slice %dma_start3A_137[%add3A_123, %dma_start3A_138] : memref<8192x128xf32, #tpu.memory_space<hbm>> -> memref<64x128xf32, #tpu.memory_space<hbm>>
    %dma_start3A_140 = arith.constant 0 : i32
    %dma_start3A_141 = arith.constant 0 : i32
    %dma_start3A_142 = tpu.memref_slice %arg4[%dma_start3A_140, %dma_start3A_141] : memref<256x128xf32, #tpu.memory_space<vmem>> -> memref<64x128xf32, #tpu.memory_space<vmem>>
    tpu.enqueue_dma source(%dma_start3A_142 : memref<64x128xf32, #tpu.memory_space<vmem>>) target(%dma_start3A_139 : memref<64x128xf32, #tpu.memory_space<hbm>>) target_semaphore(%arg6 : memref<!tpu.dma_semaphore, #tpu.memory_space<semaphore_mem>>)
    %dma_wait3A_143 = arith.constant 64 : i32
    %dma_wait3A_144 = arith.constant 0 : i32
    %dma_wait3A_145 = tpu.memref_slice %arg4[%dma_wait3A_143, %dma_wait3A_144] : memref<256x128xf32, #tpu.memory_space<vmem>> -> memref<64x128xf32, #tpu.memory_space<vmem>>
    %dma_wait3A_146 = arith.constant 0 : i32
    %dma_wait3A_147 = tpu.memref_slice %arg2[%add3A_15, %dma_wait3A_146] : memref<8192x128xf32, #tpu.memory_space<hbm>> -> memref<64x128xf32, #tpu.memory_space<hbm>>
    %dma_wait3A_148 = arith.constant 64 : i32
    %dma_wait3A_149 = arith.constant 0 : i32
    %dma_wait3A_150 = tpu.memref_slice %arg4[%dma_wait3A_148, %dma_wait3A_149] : memref<256x128xf32, #tpu.memory_space<vmem>> -> memref<64x128xf32, #tpu.memory_space<vmem>>
    %dma_wait3A_151 = arith.constant 0 : i32
    %dma_wait3A_152 = tpu.memref_slice %arg2[%add3A_15, %dma_wait3A_151] : memref<8192x128xf32, #tpu.memory_space<hbm>> -> memref<64x128xf32, #tpu.memory_space<hbm>>
    tpu.wait_dma2 semaphore(%arg5 : memref<!tpu.dma_semaphore, #tpu.memory_space<semaphore_mem>>) src(%dma_wait3A_152 : memref<64x128xf32, #tpu.memory_space<hbm>>) dst(%dma_wait3A_150 : memref<64x128xf32, #tpu.memory_space<vmem>>)
    %add3A_153 = arith.constant 64 : i32
    %add3A_154 = arith.addi %mul3A_2, %add3A_153 : i32
    %dma_start3A_155 = arith.constant 0 : i32
    %dma_start3A_156 = arith.constant 64 : i32
    %dma_start3A_157 = arith.constant 0 : i32
    %dma_start3A_158 = tpu.memref_slice %arg4[%dma_start3A_156, %dma_start3A_157] : memref<256x128xf32, #tpu.memory_space<vmem>> -> memref<64x128xf32, #tpu.memory_space<vmem>>
    %dma_start3A_159 = arith.constant 0 : i32
    %dma_start3A_160 = arith.constant 0 : i32
    %dma_start3A_161 = tpu.memref_slice %arg3[%dma_start3A_155, %dma_start3A_159, %dma_start3A_160] : memref<4x8192x128xf32, #tpu.memory_space<hbm>> -> memref<1x8192x128xf32, #tpu.memory_space<hbm>>
    %dma_start3A_162 = tpu.memref_squeeze %dma_start3A_161 : memref<1x8192x128xf32, #tpu.memory_space<hbm>> -> memref<8192x128xf32, #tpu.memory_space<hbm>>
    %dma_start3A_163 = arith.constant 0 : i32
    %dma_start3A_164 = tpu.memref_slice %dma_start3A_162[%add3A_154, %dma_start3A_163] : memref<8192x128xf32, #tpu.memory_space<hbm>> -> memref<64x128xf32, #tpu.memory_space<hbm>>
    %dma_start3A_165 = arith.constant 0 : i32
    %dma_start3A_166 = arith.constant 0 : i32
    %dma_start3A_167 = tpu.memref_slice %arg3[%dma_start3A_155, %dma_start3A_165, %dma_start3A_166] : memref<4x8192x128xf32, #tpu.memory_space<hbm>> -> memref<1x8192x128xf32, #tpu.memory_space<hbm>>
    %dma_start3A_168 = tpu.memref_squeeze %dma_start3A_167 : memref<1x8192x128xf32, #tpu.memory_space<hbm>> -> memref<8192x128xf32, #tpu.memory_space<hbm>>
    %dma_start3A_169 = arith.constant 0 : i32
    %dma_start3A_170 = tpu.memref_slice %dma_start3A_168[%add3A_154, %dma_start3A_169] : memref<8192x128xf32, #tpu.memory_space<hbm>> -> memref<64x128xf32, #tpu.memory_space<hbm>>
    %dma_start3A_171 = arith.constant 64 : i32
    %dma_start3A_172 = arith.constant 0 : i32
    %dma_start3A_173 = tpu.memref_slice %arg4[%dma_start3A_171, %dma_start3A_172] : memref<256x128xf32, #tpu.memory_space<vmem>> -> memref<64x128xf32, #tpu.memory_space<vmem>>
    tpu.enqueue_dma source(%dma_start3A_173 : memref<64x128xf32, #tpu.memory_space<vmem>>) target(%dma_start3A_170 : memref<64x128xf32, #tpu.memory_space<hbm>>) target_semaphore(%arg6 : memref<!tpu.dma_semaphore, #tpu.memory_space<semaphore_mem>>)
    %add3A_174 = arith.constant 64 : i32
    %add3A_175 = arith.addi %mul3A_2, %add3A_174 : i32
    %dma_start3A_176 = arith.constant 1 : i32
    %dma_start3A_177 = arith.constant 64 : i32
    %dma_start3A_178 = arith.constant 0 : i32
    %dma_start3A_179 = tpu.memref_slice %arg4[%dma_start3A_177, %dma_start3A_178] : memref<256x128xf32, #tpu.memory_space<vmem>> -> memref<64x128xf32, #tpu.memory_space<vmem>>
    %dma_start3A_180 = arith.constant 0 : i32
    %dma_start3A_181 = arith.constant 0 : i32
    %dma_start3A_182 = tpu.memref_slice %arg3[%dma_start3A_176, %dma_start3A_180, %dma_start3A_181] : memref<4x8192x128xf32, #tpu.memory_space<hbm>> -> memref<1x8192x128xf32, #tpu.memory_space<hbm>>
    %dma_start3A_183 = tpu.memref_squeeze %dma_start3A_182 : memref<1x8192x128xf32, #tpu.memory_space<hbm>> -> memref<8192x128xf32, #tpu.memory_space<hbm>>
    %dma_start3A_184 = arith.constant 0 : i32
    %dma_start3A_185 = tpu.memref_slice %dma_start3A_183[%add3A_175, %dma_start3A_184] : memref<8192x128xf32, #tpu.memory_space<hbm>> -> memref<64x128xf32, #tpu.memory_space<hbm>>
    %dma_start3A_186 = arith.constant 0 : i32
    %dma_start3A_187 = arith.constant 0 : i32
    %dma_start3A_188 = tpu.memref_slice %arg3[%dma_start3A_176, %dma_start3A_186, %dma_start3A_187] : memref<4x8192x128xf32, #tpu.memory_space<hbm>> -> memref<1x8192x128xf32, #tpu.memory_space<hbm>>
    %dma_start3A_189 = tpu.memref_squeeze %dma_start3A_188 : memref<1x8192x128xf32, #tpu.memory_space<hbm>> -> memref<8192x128xf32, #tpu.memory_space<hbm>>
    %dma_start3A_190 = arith.constant 0 : i32
    %dma_start3A_191 = tpu.memref_slice %dma_start3A_189[%add3A_175, %dma_start3A_190] : memref<8192x128xf32, #tpu.memory_space<hbm>> -> memref<64x128xf32, #tpu.memory_space<hbm>>
    %dma_start3A_192 = arith.constant 64 : i32
    %dma_start3A_193 = arith.constant 0 : i32
    %dma_start3A_194 = tpu.memref_slice %arg4[%dma_start3A_192, %dma_start3A_193] : memref<256x128xf32, #tpu.memory_space<vmem>> -> memref<64x128xf32, #tpu.memory_space<vmem>>
    tpu.enqueue_dma source(%dma_start3A_194 : memref<64x128xf32, #tpu.memory_space<vmem>>) target(%dma_start3A_191 : memref<64x128xf32, #tpu.memory_space<hbm>>) target_semaphore(%arg6 : memref<!tpu.dma_semaphore, #tpu.memory_space<semaphore_mem>>)
    %add3A_195 = arith.constant 64 : i32
    %add3A_196 = arith.addi %mul3A_2, %add3A_195 : i32
    %dma_start3A_197 = arith.constant 2 : i32
    %dma_start3A_198 = arith.constant 64 : i32
    %dma_start3A_199 = arith.constant 0 : i32
    %dma_start3A_200 = tpu.memref_slice %arg4[%dma_start3A_198, %dma_start3A_199] : memref<256x128xf32, #tpu.memory_space<vmem>> -> memref<64x128xf32, #tpu.memory_space<vmem>>
    %dma_start3A_201 = arith.constant 0 : i32
    %dma_start3A_202 = arith.constant 0 : i32
    %dma_start3A_203 = tpu.memref_slice %arg3[%dma_start3A_197, %dma_start3A_201, %dma_start3A_202] : memref<4x8192x128xf32, #tpu.memory_space<hbm>> -> memref<1x8192x128xf32, #tpu.memory_space<hbm>>
    %dma_start3A_204 = tpu.memref_squeeze %dma_start3A_203 : memref<1x8192x128xf32, #tpu.memory_space<hbm>> -> memref<8192x128xf32, #tpu.memory_space<hbm>>
    %dma_start3A_205 = arith.constant 0 : i32
    %dma_start3A_206 = tpu.memref_slice %dma_start3A_204[%add3A_196, %dma_start3A_205] : memref<8192x128xf32, #tpu.memory_space<hbm>> -> memref<64x128xf32, #tpu.memory_space<hbm>>
    %dma_start3A_207 = arith.constant 0 : i32
    %dma_start3A_208 = arith.constant 0 : i32
    %dma_start3A_209 = tpu.memref_slice %arg3[%dma_start3A_197, %dma_start3A_207, %dma_start3A_208] : memref<4x8192x128xf32, #tpu.memory_space<hbm>> -> memref<1x8192x128xf32, #tpu.memory_space<hbm>>
    %dma_start3A_210 = tpu.memref_squeeze %dma_start3A_209 : memref<1x8192x128xf32, #tpu.memory_space<hbm>> -> memref<8192x128xf32, #tpu.memory_space<hbm>>
    %dma_start3A_211 = arith.constant 0 : i32
    %dma_start3A_212 = tpu.memref_slice %dma_start3A_210[%add3A_196, %dma_start3A_211] : memref<8192x128xf32, #tpu.memory_space<hbm>> -> memref<64x128xf32, #tpu.memory_space<hbm>>
    %dma_start3A_213 = arith.constant 64 : i32
    %dma_start3A_214 = arith.constant 0 : i32
    %dma_start3A_215 = tpu.memref_slice %arg4[%dma_start3A_213, %dma_start3A_214] : memref<256x128xf32, #tpu.memory_space<vmem>> -> memref<64x128xf32, #tpu.memory_space<vmem>>
    tpu.enqueue_dma source(%dma_start3A_215 : memref<64x128xf32, #tpu.memory_space<vmem>>) target(%dma_start3A_212 : memref<64x128xf32, #tpu.memory_space<hbm>>) target_semaphore(%arg6 : memref<!tpu.dma_semaphore, #tpu.memory_space<semaphore_mem>>)
    %add3A_216 = arith.constant 64 : i32
    %add3A_217 = arith.addi %mul3A_2, %add3A_216 : i32
    %dma_start3A_218 = arith.constant 3 : i32
    %dma_start3A_219 = arith.constant 64 : i32
    %dma_start3A_220 = arith.constant 0 : i32
    %dma_start3A_221 = tpu.memref_slice %arg4[%dma_start3A_219, %dma_start3A_220] : memref<256x128xf32, #tpu.memory_space<vmem>> -> memref<64x128xf32, #tpu.memory_space<vmem>>
    %dma_start3A_222 = arith.constant 0 : i32
    %dma_start3A_223 = arith.constant 0 : i32
    %dma_start3A_224 = tpu.memref_slice %arg3[%dma_start3A_218, %dma_start3A_222, %dma_start3A_223] : memref<4x8192x128xf32, #tpu.memory_space<hbm>> -> memref<1x8192x128xf32, #tpu.memory_space<hbm>>
    %dma_start3A_225 = tpu.memref_squeeze %dma_start3A_224 : memref<1x8192x128xf32, #tpu.memory_space<hbm>> -> memref<8192x128xf32, #tpu.memory_space<hbm>>
    %dma_start3A_226 = arith.constant 0 : i32
    %dma_start3A_227 = tpu.memref_slice %dma_start3A_225[%add3A_217, %dma_start3A_226] : memref<8192x128xf32, #tpu.memory_space<hbm>> -> memref<64x128xf32, #tpu.memory_space<hbm>>
    %dma_start3A_228 = arith.constant 0 : i32
    %dma_start3A_229 = arith.constant 0 : i32
    %dma_start3A_230 = tpu.memref_slice %arg3[%dma_start3A_218, %dma_start3A_228, %dma_start3A_229] : memref<4x8192x128xf32, #tpu.memory_space<hbm>> -> memref<1x8192x128xf32, #tpu.memory_space<hbm>>
    %dma_start3A_231 = tpu.memref_squeeze %dma_start3A_230 : memref<1x8192x128xf32, #tpu.memory_space<hbm>> -> memref<8192x128xf32, #tpu.memory_space<hbm>>
    %dma_start3A_232 = arith.constant 0 : i32
    %dma_start3A_233 = tpu.memref_slice %dma_start3A_231[%add3A_217, %dma_start3A_232] : memref<8192x128xf32, #tpu.memory_space<hbm>> -> memref<64x128xf32, #tpu.memory_space<hbm>>
    %dma_start3A_234 = arith.constant 64 : i32
    %dma_start3A_235 = arith.constant 0 : i32
    %dma_start3A_236 = tpu.memref_slice %arg4[%dma_start3A_234, %dma_start3A_235] : memref<256x128xf32, #tpu.memory_space<vmem>> -> memref<64x128xf32, #tpu.memory_space<vmem>>
    tpu.enqueue_dma source(%dma_start3A_236 : memref<64x128xf32, #tpu.memory_space<vmem>>) target(%dma_start3A_233 : memref<64x128xf32, #tpu.memory_space<hbm>>) target_semaphore(%arg6 : memref<!tpu.dma_semaphore, #tpu.memory_space<semaphore_mem>>)
    %dma_wait3A_237 = arith.constant 128 : i32
    %dma_wait3A_238 = arith.constant 0 : i32
    %dma_wait3A_239 = tpu.memref_slice %arg4[%dma_wait3A_237, %dma_wait3A_238] : memref<256x128xf32, #tpu.memory_space<vmem>> -> memref<64x128xf32, #tpu.memory_space<vmem>>
    %dma_wait3A_240 = arith.constant 0 : i32
    %dma_wait3A_241 = tpu.memref_slice %arg2[%add3A_27, %dma_wait3A_240] : memref<8192x128xf32, #tpu.memory_space<hbm>> -> memref<64x128xf32, #tpu.memory_space<hbm>>
    %dma_wait3A_242 = arith.constant 128 : i32
    %dma_wait3A_243 = arith.constant 0 : i32
    %dma_wait3A_244 = tpu.memref_slice %arg4[%dma_wait3A_242, %dma_wait3A_243] : memref<256x128xf32, #tpu.memory_space<vmem>> -> memref<64x128xf32, #tpu.memory_space<vmem>>
    %dma_wait3A_245 = arith.constant 0 : i32
    %dma_wait3A_246 = tpu.memref_slice %arg2[%add3A_27, %dma_wait3A_245] : memref<8192x128xf32, #tpu.memory_space<hbm>> -> memref<64x128xf32, #tpu.memory_space<hbm>>
    tpu.wait_dma2 semaphore(%arg5 : memref<!tpu.dma_semaphore, #tpu.memory_space<semaphore_mem>>) src(%dma_wait3A_246 : memref<64x128xf32, #tpu.memory_space<hbm>>) dst(%dma_wait3A_244 : memref<64x128xf32, #tpu.memory_space<vmem>>)
    %add3A_247 = arith.constant 128 : i32
    %add3A_248 = arith.addi %mul3A_2, %add3A_247 : i32
    %dma_start3A_249 = arith.constant 0 : i32
    %dma_start3A_250 = arith.constant 128 : i32
    %dma_start3A_251 = arith.constant 0 : i32
    %dma_start3A_252 = tpu.memref_slice %arg4[%dma_start3A_250, %dma_start3A_251] : memref<256x128xf32, #tpu.memory_space<vmem>> -> memref<64x128xf32, #tpu.memory_space<vmem>>
    %dma_start3A_253 = arith.constant 0 : i32
    %dma_start3A_254 = arith.constant 0 : i32
    %dma_start3A_255 = tpu.memref_slice %arg3[%dma_start3A_249, %dma_start3A_253, %dma_start3A_254] : memref<4x8192x128xf32, #tpu.memory_space<hbm>> -> memref<1x8192x128xf32, #tpu.memory_space<hbm>>
    %dma_start3A_256 = tpu.memref_squeeze %dma_start3A_255 : memref<1x8192x128xf32, #tpu.memory_space<hbm>> -> memref<8192x128xf32, #tpu.memory_space<hbm>>
    %dma_start3A_257 = arith.constant 0 : i32
    %dma_start3A_258 = tpu.memref_slice %dma_start3A_256[%add3A_248, %dma_start3A_257] : memref<8192x128xf32, #tpu.memory_space<hbm>> -> memref<64x128xf32, #tpu.memory_space<hbm>>
    %dma_start3A_259 = arith.constant 0 : i32
    %dma_start3A_260 = arith.constant 0 : i32
    %dma_start3A_261 = tpu.memref_slice %arg3[%dma_start3A_249, %dma_start3A_259, %dma_start3A_260] : memref<4x8192x128xf32, #tpu.memory_space<hbm>> -> memref<1x8192x128xf32, #tpu.memory_space<hbm>>
    %dma_start3A_262 = tpu.memref_squeeze %dma_start3A_261 : memref<1x8192x128xf32, #tpu.memory_space<hbm>> -> memref<8192x128xf32, #tpu.memory_space<hbm>>
    %dma_start3A_263 = arith.constant 0 : i32
    %dma_start3A_264 = tpu.memref_slice %dma_start3A_262[%add3A_248, %dma_start3A_263] : memref<8192x128xf32, #tpu.memory_space<hbm>> -> memref<64x128xf32, #tpu.memory_space<hbm>>
    %dma_start3A_265 = arith.constant 128 : i32
    %dma_start3A_266 = arith.constant 0 : i32
    %dma_start3A_267 = tpu.memref_slice %arg4[%dma_start3A_265, %dma_start3A_266] : memref<256x128xf32, #tpu.memory_space<vmem>> -> memref<64x128xf32, #tpu.memory_space<vmem>>
    tpu.enqueue_dma source(%dma_start3A_267 : memref<64x128xf32, #tpu.memory_space<vmem>>) target(%dma_start3A_264 : memref<64x128xf32, #tpu.memory_space<hbm>>) target_semaphore(%arg6 : memref<!tpu.dma_semaphore, #tpu.memory_space<semaphore_mem>>)
    %add3A_268 = arith.constant 128 : i32
    %add3A_269 = arith.addi %mul3A_2, %add3A_268 : i32
    %dma_start3A_270 = arith.constant 1 : i32
    %dma_start3A_271 = arith.constant 128 : i32
    %dma_start3A_272 = arith.constant 0 : i32
    %dma_start3A_273 = tpu.memref_slice %arg4[%dma_start3A_271, %dma_start3A_272] : memref<256x128xf32, #tpu.memory_space<vmem>> -> memref<64x128xf32, #tpu.memory_space<vmem>>
    %dma_start3A_274 = arith.constant 0 : i32
    %dma_start3A_275 = arith.constant 0 : i32
    %dma_start3A_276 = tpu.memref_slice %arg3[%dma_start3A_270, %dma_start3A_274, %dma_start3A_275] : memref<4x8192x128xf32, #tpu.memory_space<hbm>> -> memref<1x8192x128xf32, #tpu.memory_space<hbm>>
    %dma_start3A_277 = tpu.memref_squeeze %dma_start3A_276 : memref<1x8192x128xf32, #tpu.memory_space<hbm>> -> memref<8192x128xf32, #tpu.memory_space<hbm>>
    %dma_start3A_278 = arith.constant 0 : i32
    %dma_start3A_279 = tpu.memref_slice %dma_start3A_277[%add3A_269, %dma_start3A_278] : memref<8192x128xf32, #tpu.memory_space<hbm>> -> memref<64x128xf32, #tpu.memory_space<hbm>>
    %dma_start3A_280 = arith.constant 0 : i32
    %dma_start3A_281 = arith.constant 0 : i32
    %dma_start3A_282 = tpu.memref_slice %arg3[%dma_start3A_270, %dma_start3A_280, %dma_start3A_281] : memref<4x8192x128xf32, #tpu.memory_space<hbm>> -> memref<1x8192x128xf32, #tpu.memory_space<hbm>>
    %dma_start3A_283 = tpu.memref_squeeze %dma_start3A_282 : memref<1x8192x128xf32, #tpu.memory_space<hbm>> -> memref<8192x128xf32, #tpu.memory_space<hbm>>
    %dma_start3A_284 = arith.constant 0 : i32
    %dma_start3A_285 = tpu.memref_slice %dma_start3A_283[%add3A_269, %dma_start3A_284] : memref<8192x128xf32, #tpu.memory_space<hbm>> -> memref<64x128xf32, #tpu.memory_space<hbm>>
    %dma_start3A_286 = arith.constant 128 : i32
    %dma_start3A_287 = arith.constant 0 : i32
    %dma_start3A_288 = tpu.memref_slice %arg4[%dma_start3A_286, %dma_start3A_287] : memref<256x128xf32, #tpu.memory_space<vmem>> -> memref<64x128xf32, #tpu.memory_space<vmem>>
    tpu.enqueue_dma source(%dma_start3A_288 : memref<64x128xf32, #tpu.memory_space<vmem>>) target(%dma_start3A_285 : memref<64x128xf32, #tpu.memory_space<hbm>>) target_semaphore(%arg6 : memref<!tpu.dma_semaphore, #tpu.memory_space<semaphore_mem>>)
    %add3A_289 = arith.constant 128 : i32
    %add3A_290 = arith.addi %mul3A_2, %add3A_289 : i32
    %dma_start3A_291 = arith.constant 2 : i32
    %dma_start3A_292 = arith.constant 128 : i32
    %dma_start3A_293 = arith.constant 0 : i32
    %dma_start3A_294 = tpu.memref_slice %arg4[%dma_start3A_292, %dma_start3A_293] : memref<256x128xf32, #tpu.memory_space<vmem>> -> memref<64x128xf32, #tpu.memory_space<vmem>>
    %dma_start3A_295 = arith.constant 0 : i32
    %dma_start3A_296 = arith.constant 0 : i32
    %dma_start3A_297 = tpu.memref_slice %arg3[%dma_start3A_291, %dma_start3A_295, %dma_start3A_296] : memref<4x8192x128xf32, #tpu.memory_space<hbm>> -> memref<1x8192x128xf32, #tpu.memory_space<hbm>>
    %dma_start3A_298 = tpu.memref_squeeze %dma_start3A_297 : memref<1x8192x128xf32, #tpu.memory_space<hbm>> -> memref<8192x128xf32, #tpu.memory_space<hbm>>
    %dma_start3A_299 = arith.constant 0 : i32
    %dma_start3A_300 = tpu.memref_slice %dma_start3A_298[%add3A_290, %dma_start3A_299] : memref<8192x128xf32, #tpu.memory_space<hbm>> -> memref<64x128xf32, #tpu.memory_space<hbm>>
    %dma_start3A_301 = arith.constant 0 : i32
    %dma_start3A_302 = arith.constant 0 : i32
    %dma_start3A_303 = tpu.memref_slice %arg3[%dma_start3A_291, %dma_start3A_301, %dma_start3A_302] : memref<4x8192x128xf32, #tpu.memory_space<hbm>> -> memref<1x8192x128xf32, #tpu.memory_space<hbm>>
    %dma_start3A_304 = tpu.memref_squeeze %dma_start3A_303 : memref<1x8192x128xf32, #tpu.memory_space<hbm>> -> memref<8192x128xf32, #tpu.memory_space<hbm>>
    %dma_start3A_305 = arith.constant 0 : i32
    %dma_start3A_306 = tpu.memref_slice %dma_start3A_304[%add3A_290, %dma_start3A_305] : memref<8192x128xf32, #tpu.memory_space<hbm>> -> memref<64x128xf32, #tpu.memory_space<hbm>>
    %dma_start3A_307 = arith.constant 128 : i32
    %dma_start3A_308 = arith.constant 0 : i32
    %dma_start3A_309 = tpu.memref_slice %arg4[%dma_start3A_307, %dma_start3A_308] : memref<256x128xf32, #tpu.memory_space<vmem>> -> memref<64x128xf32, #tpu.memory_space<vmem>>
    tpu.enqueue_dma source(%dma_start3A_309 : memref<64x128xf32, #tpu.memory_space<vmem>>) target(%dma_start3A_306 : memref<64x128xf32, #tpu.memory_space<hbm>>) target_semaphore(%arg6 : memref<!tpu.dma_semaphore, #tpu.memory_space<semaphore_mem>>)
    %add3A_310 = arith.constant 128 : i32
    %add3A_311 = arith.addi %mul3A_2, %add3A_310 : i32
    %dma_start3A_312 = arith.constant 3 : i32
    %dma_start3A_313 = arith.constant 128 : i32
    %dma_start3A_314 = arith.constant 0 : i32
    %dma_start3A_315 = tpu.memref_slice %arg4[%dma_start3A_313, %dma_start3A_314] : memref<256x128xf32, #tpu.memory_space<vmem>> -> memref<64x128xf32, #tpu.memory_space<vmem>>
    %dma_start3A_316 = arith.constant 0 : i32
    %dma_start3A_317 = arith.constant 0 : i32
    %dma_start3A_318 = tpu.memref_slice %arg3[%dma_start3A_312, %dma_start3A_316, %dma_start3A_317] : memref<4x8192x128xf32, #tpu.memory_space<hbm>> -> memref<1x8192x128xf32, #tpu.memory_space<hbm>>
    %dma_start3A_319 = tpu.memref_squeeze %dma_start3A_318 : memref<1x8192x128xf32, #tpu.memory_space<hbm>> -> memref<8192x128xf32, #tpu.memory_space<hbm>>
    %dma_start3A_320 = arith.constant 0 : i32
    %dma_start3A_321 = tpu.memref_slice %dma_start3A_319[%add3A_311, %dma_start3A_320] : memref<8192x128xf32, #tpu.memory_space<hbm>> -> memref<64x128xf32, #tpu.memory_space<hbm>>
    %dma_start3A_322 = arith.constant 0 : i32
    %dma_start3A_323 = arith.constant 0 : i32
    %dma_start3A_324 = tpu.memref_slice %arg3[%dma_start3A_312, %dma_start3A_322, %dma_start3A_323] : memref<4x8192x128xf32, #tpu.memory_space<hbm>> -> memref<1x8192x128xf32, #tpu.memory_space<hbm>>
    %dma_start3A_325 = tpu.memref_squeeze %dma_start3A_324 : memref<1x8192x128xf32, #tpu.memory_space<hbm>> -> memref<8192x128xf32, #tpu.memory_space<hbm>>
    %dma_start3A_326 = arith.constant 0 : i32
    %dma_start3A_327 = tpu.memref_slice %dma_start3A_325[%add3A_311, %dma_start3A_326] : memref<8192x128xf32, #tpu.memory_space<hbm>> -> memref<64x128xf32, #tpu.memory_space<hbm>>
    %dma_start3A_328 = arith.constant 128 : i32
    %dma_start3A_329 = arith.constant 0 : i32
    %dma_start3A_330 = tpu.memref_slice %arg4[%dma_start3A_328, %dma_start3A_329] : memref<256x128xf32, #tpu.memory_space<vmem>> -> memref<64x128xf32, #tpu.memory_space<vmem>>
    tpu.enqueue_dma source(%dma_start3A_330 : memref<64x128xf32, #tpu.memory_space<vmem>>) target(%dma_start3A_327 : memref<64x128xf32, #tpu.memory_space<hbm>>) target_semaphore(%arg6 : memref<!tpu.dma_semaphore, #tpu.memory_space<semaphore_mem>>)
    %dma_wait3A_331 = arith.constant 192 : i32
    %dma_wait3A_332 = arith.constant 0 : i32
    %dma_wait3A_333 = tpu.memref_slice %arg4[%dma_wait3A_331, %dma_wait3A_332] : memref<256x128xf32, #tpu.memory_space<vmem>> -> memref<64x128xf32, #tpu.memory_space<vmem>>
    %dma_wait3A_334 = arith.constant 0 : i32
    %dma_wait3A_335 = tpu.memref_slice %arg2[%add3A_39, %dma_wait3A_334] : memref<8192x128xf32, #tpu.memory_space<hbm>> -> memref<64x128xf32, #tpu.memory_space<hbm>>
    %dma_wait3A_336 = arith.constant 192 : i32
    %dma_wait3A_337 = arith.constant 0 : i32
    %dma_wait3A_338 = tpu.memref_slice %arg4[%dma_wait3A_336, %dma_wait3A_337] : memref<256x128xf32, #tpu.memory_space<vmem>> -> memref<64x128xf32, #tpu.memory_space<vmem>>
    %dma_wait3A_339 = arith.constant 0 : i32
    %dma_wait3A_340 = tpu.memref_slice %arg2[%add3A_39, %dma_wait3A_339] : memref<8192x128xf32, #tpu.memory_space<hbm>> -> memref<64x128xf32, #tpu.memory_space<hbm>>
    tpu.wait_dma2 semaphore(%arg5 : memref<!tpu.dma_semaphore, #tpu.memory_space<semaphore_mem>>) src(%dma_wait3A_340 : memref<64x128xf32, #tpu.memory_space<hbm>>) dst(%dma_wait3A_338 : memref<64x128xf32, #tpu.memory_space<vmem>>)
    %add3A_341 = arith.constant 192 : i32
    %add3A_342 = arith.addi %mul3A_2, %add3A_341 : i32
    %dma_start3A_343 = arith.constant 0 : i32
    %dma_start3A_344 = arith.constant 192 : i32
    %dma_start3A_345 = arith.constant 0 : i32
    %dma_start3A_346 = tpu.memref_slice %arg4[%dma_start3A_344, %dma_start3A_345] : memref<256x128xf32, #tpu.memory_space<vmem>> -> memref<64x128xf32, #tpu.memory_space<vmem>>
    %dma_start3A_347 = arith.constant 0 : i32
    %dma_start3A_348 = arith.constant 0 : i32
    %dma_start3A_349 = tpu.memref_slice %arg3[%dma_start3A_343, %dma_start3A_347, %dma_start3A_348] : memref<4x8192x128xf32, #tpu.memory_space<hbm>> -> memref<1x8192x128xf32, #tpu.memory_space<hbm>>
    %dma_start3A_350 = tpu.memref_squeeze %dma_start3A_349 : memref<1x8192x128xf32, #tpu.memory_space<hbm>> -> memref<8192x128xf32, #tpu.memory_space<hbm>>
    %dma_start3A_351 = arith.constant 0 : i32
    %dma_start3A_352 = tpu.memref_slice %dma_start3A_350[%add3A_342, %dma_start3A_351] : memref<8192x128xf32, #tpu.memory_space<hbm>> -> memref<64x128xf32, #tpu.memory_space<hbm>>
    %dma_start3A_353 = arith.constant 0 : i32
    %dma_start3A_354 = arith.constant 0 : i32
    %dma_start3A_355 = tpu.memref_slice %arg3[%dma_start3A_343, %dma_start3A_353, %dma_start3A_354] : memref<4x8192x128xf32, #tpu.memory_space<hbm>> -> memref<1x8192x128xf32, #tpu.memory_space<hbm>>
    %dma_start3A_356 = tpu.memref_squeeze %dma_start3A_355 : memref<1x8192x128xf32, #tpu.memory_space<hbm>> -> memref<8192x128xf32, #tpu.memory_space<hbm>>
    %dma_start3A_357 = arith.constant 0 : i32
    %dma_start3A_358 = tpu.memref_slice %dma_start3A_356[%add3A_342, %dma_start3A_357] : memref<8192x128xf32, #tpu.memory_space<hbm>> -> memref<64x128xf32, #tpu.memory_space<hbm>>
    %dma_start3A_359 = arith.constant 192 : i32
    %dma_start3A_360 = arith.constant 0 : i32
    %dma_start3A_361 = tpu.memref_slice %arg4[%dma_start3A_359, %dma_start3A_360] : memref<256x128xf32, #tpu.memory_space<vmem>> -> memref<64x128xf32, #tpu.memory_space<vmem>>
    tpu.enqueue_dma source(%dma_start3A_361 : memref<64x128xf32, #tpu.memory_space<vmem>>) target(%dma_start3A_358 : memref<64x128xf32, #tpu.memory_space<hbm>>) target_semaphore(%arg6 : memref<!tpu.dma_semaphore, #tpu.memory_space<semaphore_mem>>)
    %add3A_362 = arith.constant 192 : i32
    %add3A_363 = arith.addi %mul3A_2, %add3A_362 : i32
    %dma_start3A_364 = arith.constant 1 : i32
    %dma_start3A_365 = arith.constant 192 : i32
    %dma_start3A_366 = arith.constant 0 : i32
    %dma_start3A_367 = tpu.memref_slice %arg4[%dma_start3A_365, %dma_start3A_366] : memref<256x128xf32, #tpu.memory_space<vmem>> -> memref<64x128xf32, #tpu.memory_space<vmem>>
    %dma_start3A_368 = arith.constant 0 : i32
    %dma_start3A_369 = arith.constant 0 : i32
    %dma_start3A_370 = tpu.memref_slice %arg3[%dma_start3A_364, %dma_start3A_368, %dma_start3A_369] : memref<4x8192x128xf32, #tpu.memory_space<hbm>> -> memref<1x8192x128xf32, #tpu.memory_space<hbm>>
    %dma_start3A_371 = tpu.memref_squeeze %dma_start3A_370 : memref<1x8192x128xf32, #tpu.memory_space<hbm>> -> memref<8192x128xf32, #tpu.memory_space<hbm>>
    %dma_start3A_372 = arith.constant 0 : i32
    %dma_start3A_373 = tpu.memref_slice %dma_start3A_371[%add3A_363, %dma_start3A_372] : memref<8192x128xf32, #tpu.memory_space<hbm>> -> memref<64x128xf32, #tpu.memory_space<hbm>>
    %dma_start3A_374 = arith.constant 0 : i32
    %dma_start3A_375 = arith.constant 0 : i32
    %dma_start3A_376 = tpu.memref_slice %arg3[%dma_start3A_364, %dma_start3A_374, %dma_start3A_375] : memref<4x8192x128xf32, #tpu.memory_space<hbm>> -> memref<1x8192x128xf32, #tpu.memory_space<hbm>>
    %dma_start3A_377 = tpu.memref_squeeze %dma_start3A_376 : memref<1x8192x128xf32, #tpu.memory_space<hbm>> -> memref<8192x128xf32, #tpu.memory_space<hbm>>
    %dma_start3A_378 = arith.constant 0 : i32
    %dma_start3A_379 = tpu.memref_slice %dma_start3A_377[%add3A_363, %dma_start3A_378] : memref<8192x128xf32, #tpu.memory_space<hbm>> -> memref<64x128xf32, #tpu.memory_space<hbm>>
    %dma_start3A_380 = arith.constant 192 : i32
    %dma_start3A_381 = arith.constant 0 : i32
    %dma_start3A_382 = tpu.memref_slice %arg4[%dma_start3A_380, %dma_start3A_381] : memref<256x128xf32, #tpu.memory_space<vmem>> -> memref<64x128xf32, #tpu.memory_space<vmem>>
    tpu.enqueue_dma source(%dma_start3A_382 : memref<64x128xf32, #tpu.memory_space<vmem>>) target(%dma_start3A_379 : memref<64x128xf32, #tpu.memory_space<hbm>>) target_semaphore(%arg6 : memref<!tpu.dma_semaphore, #tpu.memory_space<semaphore_mem>>)
    %add3A_383 = arith.constant 192 : i32
    %add3A_384 = arith.addi %mul3A_2, %add3A_383 : i32
    %dma_start3A_385 = arith.constant 2 : i32
    %dma_start3A_386 = arith.constant 192 : i32
    %dma_start3A_387 = arith.constant 0 : i32
    %dma_start3A_388 = tpu.memref_slice %arg4[%dma_start3A_386, %dma_start3A_387] : memref<256x128xf32, #tpu.memory_space<vmem>> -> memref<64x128xf32, #tpu.memory_space<vmem>>
    %dma_start3A_389 = arith.constant 0 : i32
    %dma_start3A_390 = arith.constant 0 : i32
    %dma_start3A_391 = tpu.memref_slice %arg3[%dma_start3A_385, %dma_start3A_389, %dma_start3A_390] : memref<4x8192x128xf32, #tpu.memory_space<hbm>> -> memref<1x8192x128xf32, #tpu.memory_space<hbm>>
    %dma_start3A_392 = tpu.memref_squeeze %dma_start3A_391 : memref<1x8192x128xf32, #tpu.memory_space<hbm>> -> memref<8192x128xf32, #tpu.memory_space<hbm>>
    %dma_start3A_393 = arith.constant 0 : i32
    %dma_start3A_394 = tpu.memref_slice %dma_start3A_392[%add3A_384, %dma_start3A_393] : memref<8192x128xf32, #tpu.memory_space<hbm>> -> memref<64x128xf32, #tpu.memory_space<hbm>>
    %dma_start3A_395 = arith.constant 0 : i32
    %dma_start3A_396 = arith.constant 0 : i32
    %dma_start3A_397 = tpu.memref_slice %arg3[%dma_start3A_385, %dma_start3A_395, %dma_start3A_396] : memref<4x8192x128xf32, #tpu.memory_space<hbm>> -> memref<1x8192x128xf32, #tpu.memory_space<hbm>>
    %dma_start3A_398 = tpu.memref_squeeze %dma_start3A_397 : memref<1x8192x128xf32, #tpu.memory_space<hbm>> -> memref<8192x128xf32, #tpu.memory_space<hbm>>
    %dma_start3A_399 = arith.constant 0 : i32
    %dma_start3A_400 = tpu.memref_slice %dma_start3A_398[%add3A_384, %dma_start3A_399] : memref<8192x128xf32, #tpu.memory_space<hbm>> -> memref<64x128xf32, #tpu.memory_space<hbm>>
    %dma_start3A_401 = arith.constant 192 : i32
    %dma_start3A_402 = arith.constant 0 : i32
    %dma_start3A_403 = tpu.memref_slice %arg4[%dma_start3A_401, %dma_start3A_402] : memref<256x128xf32, #tpu.memory_space<vmem>> -> memref<64x128xf32, #tpu.memory_space<vmem>>
    tpu.enqueue_dma source(%dma_start3A_403 : memref<64x128xf32, #tpu.memory_space<vmem>>) target(%dma_start3A_400 : memref<64x128xf32, #tpu.memory_space<hbm>>) target_semaphore(%arg6 : memref<!tpu.dma_semaphore, #tpu.memory_space<semaphore_mem>>)
    %add3A_404 = arith.constant 192 : i32
    %add3A_405 = arith.addi %mul3A_2, %add3A_404 : i32
    %dma_start3A_406 = arith.constant 3 : i32
    %dma_start3A_407 = arith.constant 192 : i32
    %dma_start3A_408 = arith.constant 0 : i32
    %dma_start3A_409 = tpu.memref_slice %arg4[%dma_start3A_407, %dma_start3A_408] : memref<256x128xf32, #tpu.memory_space<vmem>> -> memref<64x128xf32, #tpu.memory_space<vmem>>
    %dma_start3A_410 = arith.constant 0 : i32
    %dma_start3A_411 = arith.constant 0 : i32
    %dma_start3A_412 = tpu.memref_slice %arg3[%dma_start3A_406, %dma_start3A_410, %dma_start3A_411] : memref<4x8192x128xf32, #tpu.memory_space<hbm>> -> memref<1x8192x128xf32, #tpu.memory_space<hbm>>
    %dma_start3A_413 = tpu.memref_squeeze %dma_start3A_412 : memref<1x8192x128xf32, #tpu.memory_space<hbm>> -> memref<8192x128xf32, #tpu.memory_space<hbm>>
    %dma_start3A_414 = arith.constant 0 : i32
    %dma_start3A_415 = tpu.memref_slice %dma_start3A_413[%add3A_405, %dma_start3A_414] : memref<8192x128xf32, #tpu.memory_space<hbm>> -> memref<64x128xf32, #tpu.memory_space<hbm>>
    %dma_start3A_416 = arith.constant 0 : i32
    %dma_start3A_417 = arith.constant 0 : i32
    %dma_start3A_418 = tpu.memref_slice %arg3[%dma_start3A_406, %dma_start3A_416, %dma_start3A_417] : memref<4x8192x128xf32, #tpu.memory_space<hbm>> -> memref<1x8192x128xf32, #tpu.memory_space<hbm>>
    %dma_start3A_419 = tpu.memref_squeeze %dma_start3A_418 : memref<1x8192x128xf32, #tpu.memory_space<hbm>> -> memref<8192x128xf32, #tpu.memory_space<hbm>>
    %dma_start3A_420 = arith.constant 0 : i32
    %dma_start3A_421 = tpu.memref_slice %dma_start3A_419[%add3A_405, %dma_start3A_420] : memref<8192x128xf32, #tpu.memory_space<hbm>> -> memref<64x128xf32, #tpu.memory_space<hbm>>
    %dma_start3A_422 = arith.constant 192 : i32
    %dma_start3A_423 = arith.constant 0 : i32
    %dma_start3A_424 = tpu.memref_slice %arg4[%dma_start3A_422, %dma_start3A_423] : memref<256x128xf32, #tpu.memory_space<vmem>> -> memref<64x128xf32, #tpu.memory_space<vmem>>
    tpu.enqueue_dma source(%dma_start3A_424 : memref<64x128xf32, #tpu.memory_space<vmem>>) target(%dma_start3A_421 : memref<64x128xf32, #tpu.memory_space<hbm>>) target_semaphore(%arg6 : memref<!tpu.dma_semaphore, #tpu.memory_space<semaphore_mem>>)
    %dma_wait3A_425 = arith.constant 0 : i32
    %dma_wait3A_426 = arith.constant 0 : i32
    %dma_wait3A_427 = arith.constant 0 : i32
    %dma_wait3A_428 = tpu.memref_slice %arg4[%dma_wait3A_426, %dma_wait3A_427] : memref<256x128xf32, #tpu.memory_space<vmem>> -> memref<64x128xf32, #tpu.memory_space<vmem>>
    %dma_wait3A_429 = arith.constant 0 : i32
    %dma_wait3A_430 = arith.constant 0 : i32
    %dma_wait3A_431 = tpu.memref_slice %arg3[%dma_wait3A_425, %dma_wait3A_429, %dma_wait3A_430] : memref<4x8192x128xf32, #tpu.memory_space<hbm>> -> memref<1x8192x128xf32, #tpu.memory_space<hbm>>
    %dma_wait3A_432 = tpu.memref_squeeze %dma_wait3A_431 : memref<1x8192x128xf32, #tpu.memory_space<hbm>> -> memref<8192x128xf32, #tpu.memory_space<hbm>>
    %dma_wait3A_433 = arith.constant 0 : i32
    %dma_wait3A_434 = tpu.memref_slice %dma_wait3A_432[%add3A_60, %dma_wait3A_433] : memref<8192x128xf32, #tpu.memory_space<hbm>> -> memref<64x128xf32, #tpu.memory_space<hbm>>
    %dma_wait3A_435 = arith.constant 0 : i32
    %dma_wait3A_436 = arith.constant 0 : i32
    %dma_wait3A_437 = tpu.memref_slice %arg3[%dma_wait3A_425, %dma_wait3A_435, %dma_wait3A_436] : memref<4x8192x128xf32, #tpu.memory_space<hbm>> -> memref<1x8192x128xf32, #tpu.memory_space<hbm>>
    %dma_wait3A_438 = tpu.memref_squeeze %dma_wait3A_437 : memref<1x8192x128xf32, #tpu.memory_space<hbm>> -> memref<8192x128xf32, #tpu.memory_space<hbm>>
    %dma_wait3A_439 = arith.constant 0 : i32
    %dma_wait3A_440 = tpu.memref_slice %dma_wait3A_438[%add3A_60, %dma_wait3A_439] : memref<8192x128xf32, #tpu.memory_space<hbm>> -> memref<64x128xf32, #tpu.memory_space<hbm>>
    %dma_wait3A_441 = arith.constant 0 : i32
    %dma_wait3A_442 = arith.constant 0 : i32
    %dma_wait3A_443 = tpu.memref_slice %arg4[%dma_wait3A_441, %dma_wait3A_442] : memref<256x128xf32, #tpu.memory_space<vmem>> -> memref<64x128xf32, #tpu.memory_space<vmem>>
    tpu.wait_dma2 semaphore(%arg6 : memref<!tpu.dma_semaphore, #tpu.memory_space<semaphore_mem>>) src(%dma_wait3A_443 : memref<64x128xf32, #tpu.memory_space<vmem>>) dst(%dma_wait3A_440 : memref<64x128xf32, #tpu.memory_space<hbm>>)
    %dma_wait3A_444 = arith.constant 1 : i32
    %dma_wait3A_445 = arith.constant 0 : i32
    %dma_wait3A_446 = arith.constant 0 : i32
    %dma_wait3A_447 = tpu.memref_slice %arg4[%dma_wait3A_445, %dma_wait3A_446] : memref<256x128xf32, #tpu.memory_space<vmem>> -> memref<64x128xf32, #tpu.memory_space<vmem>>
    %dma_wait3A_448 = arith.constant 0 : i32
    %dma_wait3A_449 = arith.constant 0 : i32
    %dma_wait3A_450 = tpu.memref_slice %arg3[%dma_wait3A_444, %dma_wait3A_448, %dma_wait3A_449] : memref<4x8192x128xf32, #tpu.memory_space<hbm>> -> memref<1x8192x128xf32, #tpu.memory_space<hbm>>
    %dma_wait3A_451 = tpu.memref_squeeze %dma_wait3A_450 : memref<1x8192x128xf32, #tpu.memory_space<hbm>> -> memref<8192x128xf32, #tpu.memory_space<hbm>>
    %dma_wait3A_452 = arith.constant 0 : i32
    %dma_wait3A_453 = tpu.memref_slice %dma_wait3A_451[%add3A_81, %dma_wait3A_452] : memref<8192x128xf32, #tpu.memory_space<hbm>> -> memref<64x128xf32, #tpu.memory_space<hbm>>
    %dma_wait3A_454 = arith.constant 0 : i32
    %dma_wait3A_455 = arith.constant 0 : i32
    %dma_wait3A_456 = tpu.memref_slice %arg3[%dma_wait3A_444, %dma_wait3A_454, %dma_wait3A_455] : memref<4x8192x128xf32, #tpu.memory_space<hbm>> -> memref<1x8192x128xf32, #tpu.memory_space<hbm>>
    %dma_wait3A_457 = tpu.memref_squeeze %dma_wait3A_456 : memref<1x8192x128xf32, #tpu.memory_space<hbm>> -> memref<8192x128xf32, #tpu.memory_space<hbm>>
    %dma_wait3A_458 = arith.constant 0 : i32
    %dma_wait3A_459 = tpu.memref_slice %dma_wait3A_457[%add3A_81, %dma_wait3A_458] : memref<8192x128xf32, #tpu.memory_space<hbm>> -> memref<64x128xf32, #tpu.memory_space<hbm>>
    %dma_wait3A_460 = arith.constant 0 : i32
    %dma_wait3A_461 = arith.constant 0 : i32
    %dma_wait3A_462 = tpu.memref_slice %arg4[%dma_wait3A_460, %dma_wait3A_461] : memref<256x128xf32, #tpu.memory_space<vmem>> -> memref<64x128xf32, #tpu.memory_space<vmem>>
    tpu.wait_dma2 semaphore(%arg6 : memref<!tpu.dma_semaphore, #tpu.memory_space<semaphore_mem>>) src(%dma_wait3A_462 : memref<64x128xf32, #tpu.memory_space<vmem>>) dst(%dma_wait3A_459 : memref<64x128xf32, #tpu.memory_space<hbm>>)
    %dma_wait3A_463 = arith.constant 2 : i32
    %dma_wait3A_464 = arith.constant 0 : i32
    %dma_wait3A_465 = arith.constant 0 : i32
    %dma_wait3A_466 = tpu.memref_slice %arg4[%dma_wait3A_464, %dma_wait3A_465] : memref<256x128xf32, #tpu.memory_space<vmem>> -> memref<64x128xf32, #tpu.memory_space<vmem>>
    %dma_wait3A_467 = arith.constant 0 : i32
    %dma_wait3A_468 = arith.constant 0 : i32
    %dma_wait3A_469 = tpu.memref_slice %arg3[%dma_wait3A_463, %dma_wait3A_467, %dma_wait3A_468] : memref<4x8192x128xf32, #tpu.memory_space<hbm>> -> memref<1x8192x128xf32, #tpu.memory_space<hbm>>
    %dma_wait3A_470 = tpu.memref_squeeze %dma_wait3A_469 : memref<1x8192x128xf32, #tpu.memory_space<hbm>> -> memref<8192x128xf32, #tpu.memory_space<hbm>>
    %dma_wait3A_471 = arith.constant 0 : i32
    %dma_wait3A_472 = tpu.memref_slice %dma_wait3A_470[%add3A_102, %dma_wait3A_471] : memref<8192x128xf32, #tpu.memory_space<hbm>> -> memref<64x128xf32, #tpu.memory_space<hbm>>
    %dma_wait3A_473 = arith.constant 0 : i32
    %dma_wait3A_474 = arith.constant 0 : i32
    %dma_wait3A_475 = tpu.memref_slice %arg3[%dma_wait3A_463, %dma_wait3A_473, %dma_wait3A_474] : memref<4x8192x128xf32, #tpu.memory_space<hbm>> -> memref<1x8192x128xf32, #tpu.memory_space<hbm>>
    %dma_wait3A_476 = tpu.memref_squeeze %dma_wait3A_475 : memref<1x8192x128xf32, #tpu.memory_space<hbm>> -> memref<8192x128xf32, #tpu.memory_space<hbm>>
    %dma_wait3A_477 = arith.constant 0 : i32
    %dma_wait3A_478 = tpu.memref_slice %dma_wait3A_476[%add3A_102, %dma_wait3A_477] : memref<8192x128xf32, #tpu.memory_space<hbm>> -> memref<64x128xf32, #tpu.memory_space<hbm>>
    %dma_wait3A_479 = arith.constant 0 : i32
    %dma_wait3A_480 = arith.constant 0 : i32
    %dma_wait3A_481 = tpu.memref_slice %arg4[%dma_wait3A_479, %dma_wait3A_480] : memref<256x128xf32, #tpu.memory_space<vmem>> -> memref<64x128xf32, #tpu.memory_space<vmem>>
    tpu.wait_dma2 semaphore(%arg6 : memref<!tpu.dma_semaphore, #tpu.memory_space<semaphore_mem>>) src(%dma_wait3A_481 : memref<64x128xf32, #tpu.memory_space<vmem>>) dst(%dma_wait3A_478 : memref<64x128xf32, #tpu.memory_space<hbm>>)
    %dma_wait3A_482 = arith.constant 3 : i32
    %dma_wait3A_483 = arith.constant 0 : i32
    %dma_wait3A_484 = arith.constant 0 : i32
    %dma_wait3A_485 = tpu.memref_slice %arg4[%dma_wait3A_483, %dma_wait3A_484] : memref<256x128xf32, #tpu.memory_space<vmem>> -> memref<64x128xf32, #tpu.memory_space<vmem>>
    %dma_wait3A_486 = arith.constant 0 : i32
    %dma_wait3A_487 = arith.constant 0 : i32
    %dma_wait3A_488 = tpu.memref_slice %arg3[%dma_wait3A_482, %dma_wait3A_486, %dma_wait3A_487] : memref<4x8192x128xf32, #tpu.memory_space<hbm>> -> memref<1x8192x128xf32, #tpu.memory_space<hbm>>
    %dma_wait3A_489 = tpu.memref_squeeze %dma_wait3A_488 : memref<1x8192x128xf32, #tpu.memory_space<hbm>> -> memref<8192x128xf32, #tpu.memory_space<hbm>>
    %dma_wait3A_490 = arith.constant 0 : i32
    %dma_wait3A_491 = tpu.memref_slice %dma_wait3A_489[%add3A_123, %dma_wait3A_490] : memref<8192x128xf32, #tpu.memory_space<hbm>> -> memref<64x128xf32, #tpu.memory_space<hbm>>
    %dma_wait3A_492 = arith.constant 0 : i32
    %dma_wait3A_493 = arith.constant 0 : i32
    %dma_wait3A_494 = tpu.memref_slice %arg3[%dma_wait3A_482, %dma_wait3A_492, %dma_wait3A_493] : memref<4x8192x128xf32, #tpu.memory_space<hbm>> -> memref<1x8192x128xf32, #tpu.memory_space<hbm>>
    %dma_wait3A_495 = tpu.memref_squeeze %dma_wait3A_494 : memref<1x8192x128xf32, #tpu.memory_space<hbm>> -> memref<8192x128xf32, #tpu.memory_space<hbm>>
    %dma_wait3A_496 = arith.constant 0 : i32
    %dma_wait3A_497 = tpu.memref_slice %dma_wait3A_495[%add3A_123, %dma_wait3A_496] : memref<8192x128xf32, #tpu.memory_space<hbm>> -> memref<64x128xf32, #tpu.memory_space<hbm>>
    %dma_wait3A_498 = arith.constant 0 : i32
    %dma_wait3A_499 = arith.constant 0 : i32
    %dma_wait3A_500 = tpu.memref_slice %arg4[%dma_wait3A_498, %dma_wait3A_499] : memref<256x128xf32, #tpu.memory_space<vmem>> -> memref<64x128xf32, #tpu.memory_space<vmem>>
    tpu.wait_dma2 semaphore(%arg6 : memref<!tpu.dma_semaphore, #tpu.memory_space<semaphore_mem>>) src(%dma_wait3A_500 : memref<64x128xf32, #tpu.memory_space<vmem>>) dst(%dma_wait3A_497 : memref<64x128xf32, #tpu.memory_space<hbm>>)
    %dma_wait3A_501 = arith.constant 0 : i32
    %dma_wait3A_502 = arith.constant 64 : i32
    %dma_wait3A_503 = arith.constant 0 : i32
    %dma_wait3A_504 = tpu.memref_slice %arg4[%dma_wait3A_502, %dma_wait3A_503] : memref<256x128xf32, #tpu.memory_space<vmem>> -> memref<64x128xf32, #tpu.memory_space<vmem>>
    %dma_wait3A_505 = arith.constant 0 : i32
    %dma_wait3A_506 = arith.constant 0 : i32
    %dma_wait3A_507 = tpu.memref_slice %arg3[%dma_wait3A_501, %dma_wait3A_505, %dma_wait3A_506] : memref<4x8192x128xf32, #tpu.memory_space<hbm>> -> memref<1x8192x128xf32, #tpu.memory_space<hbm>>
    %dma_wait3A_508 = tpu.memref_squeeze %dma_wait3A_507 : memref<1x8192x128xf32, #tpu.memory_space<hbm>> -> memref<8192x128xf32, #tpu.memory_space<hbm>>
    %dma_wait3A_509 = arith.constant 0 : i32
    %dma_wait3A_510 = tpu.memref_slice %dma_wait3A_508[%add3A_154, %dma_wait3A_509] : memref<8192x128xf32, #tpu.memory_space<hbm>> -> memref<64x128xf32, #tpu.memory_space<hbm>>
    %dma_wait3A_511 = arith.constant 0 : i32
    %dma_wait3A_512 = arith.constant 0 : i32
    %dma_wait3A_513 = tpu.memref_slice %arg3[%dma_wait3A_501, %dma_wait3A_511, %dma_wait3A_512] : memref<4x8192x128xf32, #tpu.memory_space<hbm>> -> memref<1x8192x128xf32, #tpu.memory_space<hbm>>
    %dma_wait3A_514 = tpu.memref_squeeze %dma_wait3A_513 : memref<1x8192x128xf32, #tpu.memory_space<hbm>> -> memref<8192x128xf32, #tpu.memory_space<hbm>>
    %dma_wait3A_515 = arith.constant 0 : i32
    %dma_wait3A_516 = tpu.memref_slice %dma_wait3A_514[%add3A_154, %dma_wait3A_515] : memref<8192x128xf32, #tpu.memory_space<hbm>> -> memref<64x128xf32, #tpu.memory_space<hbm>>
    %dma_wait3A_517 = arith.constant 64 : i32
    %dma_wait3A_518 = arith.constant 0 : i32
    %dma_wait3A_519 = tpu.memref_slice %arg4[%dma_wait3A_517, %dma_wait3A_518] : memref<256x128xf32, #tpu.memory_space<vmem>> -> memref<64x128xf32, #tpu.memory_space<vmem>>
    tpu.wait_dma2 semaphore(%arg6 : memref<!tpu.dma_semaphore, #tpu.memory_space<semaphore_mem>>) src(%dma_wait3A_519 : memref<64x128xf32, #tpu.memory_space<vmem>>) dst(%dma_wait3A_516 : memref<64x128xf32, #tpu.memory_space<hbm>>)
    %dma_wait3A_520 = arith.constant 1 : i32
    %dma_wait3A_521 = arith.constant 64 : i32
    %dma_wait3A_522 = arith.constant 0 : i32
    %dma_wait3A_523 = tpu.memref_slice %arg4[%dma_wait3A_521, %dma_wait3A_522] : memref<256x128xf32, #tpu.memory_space<vmem>> -> memref<64x128xf32, #tpu.memory_space<vmem>>
    %dma_wait3A_524 = arith.constant 0 : i32
    %dma_wait3A_525 = arith.constant 0 : i32
    %dma_wait3A_526 = tpu.memref_slice %arg3[%dma_wait3A_520, %dma_wait3A_524, %dma_wait3A_525] : memref<4x8192x128xf32, #tpu.memory_space<hbm>> -> memref<1x8192x128xf32, #tpu.memory_space<hbm>>
    %dma_wait3A_527 = tpu.memref_squeeze %dma_wait3A_526 : memref<1x8192x128xf32, #tpu.memory_space<hbm>> -> memref<8192x128xf32, #tpu.memory_space<hbm>>
    %dma_wait3A_528 = arith.constant 0 : i32
    %dma_wait3A_529 = tpu.memref_slice %dma_wait3A_527[%add3A_175, %dma_wait3A_528] : memref<8192x128xf32, #tpu.memory_space<hbm>> -> memref<64x128xf32, #tpu.memory_space<hbm>>
    %dma_wait3A_530 = arith.constant 0 : i32
    %dma_wait3A_531 = arith.constant 0 : i32
    %dma_wait3A_532 = tpu.memref_slice %arg3[%dma_wait3A_520, %dma_wait3A_530, %dma_wait3A_531] : memref<4x8192x128xf32, #tpu.memory_space<hbm>> -> memref<1x8192x128xf32, #tpu.memory_space<hbm>>
    %dma_wait3A_533 = tpu.memref_squeeze %dma_wait3A_532 : memref<1x8192x128xf32, #tpu.memory_space<hbm>> -> memref<8192x128xf32, #tpu.memory_space<hbm>>
    %dma_wait3A_534 = arith.constant 0 : i32
    %dma_wait3A_535 = tpu.memref_slice %dma_wait3A_533[%add3A_175, %dma_wait3A_534] : memref<8192x128xf32, #tpu.memory_space<hbm>> -> memref<64x128xf32, #tpu.memory_space<hbm>>
    %dma_wait3A_536 = arith.constant 64 : i32
    %dma_wait3A_537 = arith.constant 0 : i32
    %dma_wait3A_538 = tpu.memref_slice %arg4[%dma_wait3A_536, %dma_wait3A_537] : memref<256x128xf32, #tpu.memory_space<vmem>> -> memref<64x128xf32, #tpu.memory_space<vmem>>
    tpu.wait_dma2 semaphore(%arg6 : memref<!tpu.dma_semaphore, #tpu.memory_space<semaphore_mem>>) src(%dma_wait3A_538 : memref<64x128xf32, #tpu.memory_space<vmem>>) dst(%dma_wait3A_535 : memref<64x128xf32, #tpu.memory_space<hbm>>)
    %dma_wait3A_539 = arith.constant 2 : i32
    %dma_wait3A_540 = arith.constant 64 : i32
    %dma_wait3A_541 = arith.constant 0 : i32
    %dma_wait3A_542 = tpu.memref_slice %arg4[%dma_wait3A_540, %dma_wait3A_541] : memref<256x128xf32, #tpu.memory_space<vmem>> -> memref<64x128xf32, #tpu.memory_space<vmem>>
    %dma_wait3A_543 = arith.constant 0 : i32
    %dma_wait3A_544 = arith.constant 0 : i32
    %dma_wait3A_545 = tpu.memref_slice %arg3[%dma_wait3A_539, %dma_wait3A_543, %dma_wait3A_544] : memref<4x8192x128xf32, #tpu.memory_space<hbm>> -> memref<1x8192x128xf32, #tpu.memory_space<hbm>>
    %dma_wait3A_546 = tpu.memref_squeeze %dma_wait3A_545 : memref<1x8192x128xf32, #tpu.memory_space<hbm>> -> memref<8192x128xf32, #tpu.memory_space<hbm>>
    %dma_wait3A_547 = arith.constant 0 : i32
    %dma_wait3A_548 = tpu.memref_slice %dma_wait3A_546[%add3A_196, %dma_wait3A_547] : memref<8192x128xf32, #tpu.memory_space<hbm>> -> memref<64x128xf32, #tpu.memory_space<hbm>>
    %dma_wait3A_549 = arith.constant 0 : i32
    %dma_wait3A_550 = arith.constant 0 : i32
    %dma_wait3A_551 = tpu.memref_slice %arg3[%dma_wait3A_539, %dma_wait3A_549, %dma_wait3A_550] : memref<4x8192x128xf32, #tpu.memory_space<hbm>> -> memref<1x8192x128xf32, #tpu.memory_space<hbm>>
    %dma_wait3A_552 = tpu.memref_squeeze %dma_wait3A_551 : memref<1x8192x128xf32, #tpu.memory_space<hbm>> -> memref<8192x128xf32, #tpu.memory_space<hbm>>
    %dma_wait3A_553 = arith.constant 0 : i32
    %dma_wait3A_554 = tpu.memref_slice %dma_wait3A_552[%add3A_196, %dma_wait3A_553] : memref<8192x128xf32, #tpu.memory_space<hbm>> -> memref<64x128xf32, #tpu.memory_space<hbm>>
    %dma_wait3A_555 = arith.constant 64 : i32
    %dma_wait3A_556 = arith.constant 0 : i32
    %dma_wait3A_557 = tpu.memref_slice %arg4[%dma_wait3A_555, %dma_wait3A_556] : memref<256x128xf32, #tpu.memory_space<vmem>> -> memref<64x128xf32, #tpu.memory_space<vmem>>
    tpu.wait_dma2 semaphore(%arg6 : memref<!tpu.dma_semaphore, #tpu.memory_space<semaphore_mem>>) src(%dma_wait3A_557 : memref<64x128xf32, #tpu.memory_space<vmem>>) dst(%dma_wait3A_554 : memref<64x128xf32, #tpu.memory_space<hbm>>)
    %dma_wait3A_558 = arith.constant 3 : i32
    %dma_wait3A_559 = arith.constant 64 : i32
    %dma_wait3A_560 = arith.constant 0 : i32
    %dma_wait3A_561 = tpu.memref_slice %arg4[%dma_wait3A_559, %dma_wait3A_560] : memref<256x128xf32, #tpu.memory_space<vmem>> -> memref<64x128xf32, #tpu.memory_space<vmem>>
    %dma_wait3A_562 = arith.constant 0 : i32
    %dma_wait3A_563 = arith.constant 0 : i32
    %dma_wait3A_564 = tpu.memref_slice %arg3[%dma_wait3A_558, %dma_wait3A_562, %dma_wait3A_563] : memref<4x8192x128xf32, #tpu.memory_space<hbm>> -> memref<1x8192x128xf32, #tpu.memory_space<hbm>>
    %dma_wait3A_565 = tpu.memref_squeeze %dma_wait3A_564 : memref<1x8192x128xf32, #tpu.memory_space<hbm>> -> memref<8192x128xf32, #tpu.memory_space<hbm>>
    %dma_wait3A_566 = arith.constant 0 : i32
    %dma_wait3A_567 = tpu.memref_slice %dma_wait3A_565[%add3A_217, %dma_wait3A_566] : memref<8192x128xf32, #tpu.memory_space<hbm>> -> memref<64x128xf32, #tpu.memory_space<hbm>>
    %dma_wait3A_568 = arith.constant 0 : i32
    %dma_wait3A_569 = arith.constant 0 : i32
    %dma_wait3A_570 = tpu.memref_slice %arg3[%dma_wait3A_558, %dma_wait3A_568, %dma_wait3A_569] : memref<4x8192x128xf32, #tpu.memory_space<hbm>> -> memref<1x8192x128xf32, #tpu.memory_space<hbm>>
    %dma_wait3A_571 = tpu.memref_squeeze %dma_wait3A_570 : memref<1x8192x128xf32, #tpu.memory_space<hbm>> -> memref<8192x128xf32, #tpu.memory_space<hbm>>
    %dma_wait3A_572 = arith.constant 0 : i32
    %dma_wait3A_573 = tpu.memref_slice %dma_wait3A_571[%add3A_217, %dma_wait3A_572] : memref<8192x128xf32, #tpu.memory_space<hbm>> -> memref<64x128xf32, #tpu.memory_space<hbm>>
    %dma_wait3A_574 = arith.constant 64 : i32
    %dma_wait3A_575 = arith.constant 0 : i32
    %dma_wait3A_576 = tpu.memref_slice %arg4[%dma_wait3A_574, %dma_wait3A_575] : memref<256x128xf32, #tpu.memory_space<vmem>> -> memref<64x128xf32, #tpu.memory_space<vmem>>
    tpu.wait_dma2 semaphore(%arg6 : memref<!tpu.dma_semaphore, #tpu.memory_space<semaphore_mem>>) src(%dma_wait3A_576 : memref<64x128xf32, #tpu.memory_space<vmem>>) dst(%dma_wait3A_573 : memref<64x128xf32, #tpu.memory_space<hbm>>)
    %dma_wait3A_577 = arith.constant 0 : i32
    %dma_wait3A_578 = arith.constant 128 : i32
    %dma_wait3A_579 = arith.constant 0 : i32
    %dma_wait3A_580 = tpu.memref_slice %arg4[%dma_wait3A_578, %dma_wait3A_579] : memref<256x128xf32, #tpu.memory_space<vmem>> -> memref<64x128xf32, #tpu.memory_space<vmem>>
    %dma_wait3A_581 = arith.constant 0 : i32
    %dma_wait3A_582 = arith.constant 0 : i32
    %dma_wait3A_583 = tpu.memref_slice %arg3[%dma_wait3A_577, %dma_wait3A_581, %dma_wait3A_582] : memref<4x8192x128xf32, #tpu.memory_space<hbm>> -> memref<1x8192x128xf32, #tpu.memory_space<hbm>>
    %dma_wait3A_584 = tpu.memref_squeeze %dma_wait3A_583 : memref<1x8192x128xf32, #tpu.memory_space<hbm>> -> memref<8192x128xf32, #tpu.memory_space<hbm>>
    %dma_wait3A_585 = arith.constant 0 : i32
    %dma_wait3A_586 = tpu.memref_slice %dma_wait3A_584[%add3A_248, %dma_wait3A_585] : memref<8192x128xf32, #tpu.memory_space<hbm>> -> memref<64x128xf32, #tpu.memory_space<hbm>>
    %dma_wait3A_587 = arith.constant 0 : i32
    %dma_wait3A_588 = arith.constant 0 : i32
    %dma_wait3A_589 = tpu.memref_slice %arg3[%dma_wait3A_577, %dma_wait3A_587, %dma_wait3A_588] : memref<4x8192x128xf32, #tpu.memory_space<hbm>> -> memref<1x8192x128xf32, #tpu.memory_space<hbm>>
    %dma_wait3A_590 = tpu.memref_squeeze %dma_wait3A_589 : memref<1x8192x128xf32, #tpu.memory_space<hbm>> -> memref<8192x128xf32, #tpu.memory_space<hbm>>
    %dma_wait3A_591 = arith.constant 0 : i32
    %dma_wait3A_592 = tpu.memref_slice %dma_wait3A_590[%add3A_248, %dma_wait3A_591] : memref<8192x128xf32, #tpu.memory_space<hbm>> -> memref<64x128xf32, #tpu.memory_space<hbm>>
    %dma_wait3A_593 = arith.constant 128 : i32
    %dma_wait3A_594 = arith.constant 0 : i32
    %dma_wait3A_595 = tpu.memref_slice %arg4[%dma_wait3A_593, %dma_wait3A_594] : memref<256x128xf32, #tpu.memory_space<vmem>> -> memref<64x128xf32, #tpu.memory_space<vmem>>
    tpu.wait_dma2 semaphore(%arg6 : memref<!tpu.dma_semaphore, #tpu.memory_space<semaphore_mem>>) src(%dma_wait3A_595 : memref<64x128xf32, #tpu.memory_space<vmem>>) dst(%dma_wait3A_592 : memref<64x128xf32, #tpu.memory_space<hbm>>)
    %dma_wait3A_596 = arith.constant 1 : i32
    %dma_wait3A_597 = arith.constant 128 : i32
    %dma_wait3A_598 = arith.constant 0 : i32
    %dma_wait3A_599 = tpu.memref_slice %arg4[%dma_wait3A_597, %dma_wait3A_598] : memref<256x128xf32, #tpu.memory_space<vmem>> -> memref<64x128xf32, #tpu.memory_space<vmem>>
    %dma_wait3A_600 = arith.constant 0 : i32
    %dma_wait3A_601 = arith.constant 0 : i32
    %dma_wait3A_602 = tpu.memref_slice %arg3[%dma_wait3A_596, %dma_wait3A_600, %dma_wait3A_601] : memref<4x8192x128xf32, #tpu.memory_space<hbm>> -> memref<1x8192x128xf32, #tpu.memory_space<hbm>>
    %dma_wait3A_603 = tpu.memref_squeeze %dma_wait3A_602 : memref<1x8192x128xf32, #tpu.memory_space<hbm>> -> memref<8192x128xf32, #tpu.memory_space<hbm>>
    %dma_wait3A_604 = arith.constant 0 : i32
    %dma_wait3A_605 = tpu.memref_slice %dma_wait3A_603[%add3A_269, %dma_wait3A_604] : memref<8192x128xf32, #tpu.memory_space<hbm>> -> memref<64x128xf32, #tpu.memory_space<hbm>>
    %dma_wait3A_606 = arith.constant 0 : i32
    %dma_wait3A_607 = arith.constant 0 : i32
    %dma_wait3A_608 = tpu.memref_slice %arg3[%dma_wait3A_596, %dma_wait3A_606, %dma_wait3A_607] : memref<4x8192x128xf32, #tpu.memory_space<hbm>> -> memref<1x8192x128xf32, #tpu.memory_space<hbm>>
    %dma_wait3A_609 = tpu.memref_squeeze %dma_wait3A_608 : memref<1x8192x128xf32, #tpu.memory_space<hbm>> -> memref<8192x128xf32, #tpu.memory_space<hbm>>
    %dma_wait3A_610 = arith.constant 0 : i32
    %dma_wait3A_611 = tpu.memref_slice %dma_wait3A_609[%add3A_269, %dma_wait3A_610] : memref<8192x128xf32, #tpu.memory_space<hbm>> -> memref<64x128xf32, #tpu.memory_space<hbm>>
    %dma_wait3A_612 = arith.constant 128 : i32
    %dma_wait3A_613 = arith.constant 0 : i32
    %dma_wait3A_614 = tpu.memref_slice %arg4[%dma_wait3A_612, %dma_wait3A_613] : memref<256x128xf32, #tpu.memory_space<vmem>> -> memref<64x128xf32, #tpu.memory_space<vmem>>
    tpu.wait_dma2 semaphore(%arg6 : memref<!tpu.dma_semaphore, #tpu.memory_space<semaphore_mem>>) src(%dma_wait3A_614 : memref<64x128xf32, #tpu.memory_space<vmem>>) dst(%dma_wait3A_611 : memref<64x128xf32, #tpu.memory_space<hbm>>)
    %dma_wait3A_615 = arith.constant 2 : i32
    %dma_wait3A_616 = arith.constant 128 : i32
    %dma_wait3A_617 = arith.constant 0 : i32
    %dma_wait3A_618 = tpu.memref_slice %arg4[%dma_wait3A_616, %dma_wait3A_617] : memref<256x128xf32, #tpu.memory_space<vmem>> -> memref<64x128xf32, #tpu.memory_space<vmem>>
    %dma_wait3A_619 = arith.constant 0 : i32
    %dma_wait3A_620 = arith.constant 0 : i32
    %dma_wait3A_621 = tpu.memref_slice %arg3[%dma_wait3A_615, %dma_wait3A_619, %dma_wait3A_620] : memref<4x8192x128xf32, #tpu.memory_space<hbm>> -> memref<1x8192x128xf32, #tpu.memory_space<hbm>>
    %dma_wait3A_622 = tpu.memref_squeeze %dma_wait3A_621 : memref<1x8192x128xf32, #tpu.memory_space<hbm>> -> memref<8192x128xf32, #tpu.memory_space<hbm>>
    %dma_wait3A_623 = arith.constant 0 : i32
    %dma_wait3A_624 = tpu.memref_slice %dma_wait3A_622[%add3A_290, %dma_wait3A_623] : memref<8192x128xf32, #tpu.memory_space<hbm>> -> memref<64x128xf32, #tpu.memory_space<hbm>>
    %dma_wait3A_625 = arith.constant 0 : i32
    %dma_wait3A_626 = arith.constant 0 : i32
    %dma_wait3A_627 = tpu.memref_slice %arg3[%dma_wait3A_615, %dma_wait3A_625, %dma_wait3A_626] : memref<4x8192x128xf32, #tpu.memory_space<hbm>> -> memref<1x8192x128xf32, #tpu.memory_space<hbm>>
    %dma_wait3A_628 = tpu.memref_squeeze %dma_wait3A_627 : memref<1x8192x128xf32, #tpu.memory_space<hbm>> -> memref<8192x128xf32, #tpu.memory_space<hbm>>
    %dma_wait3A_629 = arith.constant 0 : i32
    %dma_wait3A_630 = tpu.memref_slice %dma_wait3A_628[%add3A_290, %dma_wait3A_629] : memref<8192x128xf32, #tpu.memory_space<hbm>> -> memref<64x128xf32, #tpu.memory_space<hbm>>
    %dma_wait3A_631 = arith.constant 128 : i32
    %dma_wait3A_632 = arith.constant 0 : i32
    %dma_wait3A_633 = tpu.memref_slice %arg4[%dma_wait3A_631, %dma_wait3A_632] : memref<256x128xf32, #tpu.memory_space<vmem>> -> memref<64x128xf32, #tpu.memory_space<vmem>>
    tpu.wait_dma2 semaphore(%arg6 : memref<!tpu.dma_semaphore, #tpu.memory_space<semaphore_mem>>) src(%dma_wait3A_633 : memref<64x128xf32, #tpu.memory_space<vmem>>) dst(%dma_wait3A_630 : memref<64x128xf32, #tpu.memory_space<hbm>>)
    %dma_wait3A_634 = arith.constant 3 : i32
    %dma_wait3A_635 = arith.constant 128 : i32
    %dma_wait3A_636 = arith.constant 0 : i32
    %dma_wait3A_637 = tpu.memref_slice %arg4[%dma_wait3A_635, %dma_wait3A_636] : memref<256x128xf32, #tpu.memory_space<vmem>> -> memref<64x128xf32, #tpu.memory_space<vmem>>
    %dma_wait3A_638 = arith.constant 0 : i32
    %dma_wait3A_639 = arith.constant 0 : i32
    %dma_wait3A_640 = tpu.memref_slice %arg3[%dma_wait3A_634, %dma_wait3A_638, %dma_wait3A_639] : memref<4x8192x128xf32, #tpu.memory_space<hbm>> -> memref<1x8192x128xf32, #tpu.memory_space<hbm>>
    %dma_wait3A_641 = tpu.memref_squeeze %dma_wait3A_640 : memref<1x8192x128xf32, #tpu.memory_space<hbm>> -> memref<8192x128xf32, #tpu.memory_space<hbm>>
    %dma_wait3A_642 = arith.constant 0 : i32
    %dma_wait3A_643 = tpu.memref_slice %dma_wait3A_641[%add3A_311, %dma_wait3A_642] : memref<8192x128xf32, #tpu.memory_space<hbm>> -> memref<64x128xf32, #tpu.memory_space<hbm>>
    %dma_wait3A_644 = arith.constant 0 : i32
    %dma_wait3A_645 = arith.constant 0 : i32
    %dma_wait3A_646 = tpu.memref_slice %arg3[%dma_wait3A_634, %dma_wait3A_644, %dma_wait3A_645] : memref<4x8192x128xf32, #tpu.memory_space<hbm>> -> memref<1x8192x128xf32, #tpu.memory_space<hbm>>
    %dma_wait3A_647 = tpu.memref_squeeze %dma_wait3A_646 : memref<1x8192x128xf32, #tpu.memory_space<hbm>> -> memref<8192x128xf32, #tpu.memory_space<hbm>>
    %dma_wait3A_648 = arith.constant 0 : i32
    %dma_wait3A_649 = tpu.memref_slice %dma_wait3A_647[%add3A_311, %dma_wait3A_648] : memref<8192x128xf32, #tpu.memory_space<hbm>> -> memref<64x128xf32, #tpu.memory_space<hbm>>
    %dma_wait3A_650 = arith.constant 128 : i32
    %dma_wait3A_651 = arith.constant 0 : i32
    %dma_wait3A_652 = tpu.memref_slice %arg4[%dma_wait3A_650, %dma_wait3A_651] : memref<256x128xf32, #tpu.memory_space<vmem>> -> memref<64x128xf32, #tpu.memory_space<vmem>>
    tpu.wait_dma2 semaphore(%arg6 : memref<!tpu.dma_semaphore, #tpu.memory_space<semaphore_mem>>) src(%dma_wait3A_652 : memref<64x128xf32, #tpu.memory_space<vmem>>) dst(%dma_wait3A_649 : memref<64x128xf32, #tpu.memory_space<hbm>>)
    %dma_wait3A_653 = arith.constant 0 : i32
    %dma_wait3A_654 = arith.constant 192 : i32
    %dma_wait3A_655 = arith.constant 0 : i32
    %dma_wait3A_656 = tpu.memref_slice %arg4[%dma_wait3A_654, %dma_wait3A_655] : memref<256x128xf32, #tpu.memory_space<vmem>> -> memref<64x128xf32, #tpu.memory_space<vmem>>
    %dma_wait3A_657 = arith.constant 0 : i32
    %dma_wait3A_658 = arith.constant 0 : i32
    %dma_wait3A_659 = tpu.memref_slice %arg3[%dma_wait3A_653, %dma_wait3A_657, %dma_wait3A_658] : memref<4x8192x128xf32, #tpu.memory_space<hbm>> -> memref<1x8192x128xf32, #tpu.memory_space<hbm>>
    %dma_wait3A_660 = tpu.memref_squeeze %dma_wait3A_659 : memref<1x8192x128xf32, #tpu.memory_space<hbm>> -> memref<8192x128xf32, #tpu.memory_space<hbm>>
    %dma_wait3A_661 = arith.constant 0 : i32
    %dma_wait3A_662 = tpu.memref_slice %dma_wait3A_660[%add3A_342, %dma_wait3A_661] : memref<8192x128xf32, #tpu.memory_space<hbm>> -> memref<64x128xf32, #tpu.memory_space<hbm>>
    %dma_wait3A_663 = arith.constant 0 : i32
    %dma_wait3A_664 = arith.constant 0 : i32
    %dma_wait3A_665 = tpu.memref_slice %arg3[%dma_wait3A_653, %dma_wait3A_663, %dma_wait3A_664] : memref<4x8192x128xf32, #tpu.memory_space<hbm>> -> memref<1x8192x128xf32, #tpu.memory_space<hbm>>
    %dma_wait3A_666 = tpu.memref_squeeze %dma_wait3A_665 : memref<1x8192x128xf32, #tpu.memory_space<hbm>> -> memref<8192x128xf32, #tpu.memory_space<hbm>>
    %dma_wait3A_667 = arith.constant 0 : i32
    %dma_wait3A_668 = tpu.memref_slice %dma_wait3A_666[%add3A_342, %dma_wait3A_667] : memref<8192x128xf32, #tpu.memory_space<hbm>> -> memref<64x128xf32, #tpu.memory_space<hbm>>
    %dma_wait3A_669 = arith.constant 192 : i32
    %dma_wait3A_670 = arith.constant 0 : i32
    %dma_wait3A_671 = tpu.memref_slice %arg4[%dma_wait3A_669, %dma_wait3A_670] : memref<256x128xf32, #tpu.memory_space<vmem>> -> memref<64x128xf32, #tpu.memory_space<vmem>>
    tpu.wait_dma2 semaphore(%arg6 : memref<!tpu.dma_semaphore, #tpu.memory_space<semaphore_mem>>) src(%dma_wait3A_671 : memref<64x128xf32, #tpu.memory_space<vmem>>) dst(%dma_wait3A_668 : memref<64x128xf32, #tpu.memory_space<hbm>>)
    %dma_wait3A_672 = arith.constant 1 : i32
    %dma_wait3A_673 = arith.constant 192 : i32
    %dma_wait3A_674 = arith.constant 0 : i32
    %dma_wait3A_675 = tpu.memref_slice %arg4[%dma_wait3A_673, %dma_wait3A_674] : memref<256x128xf32, #tpu.memory_space<vmem>> -> memref<64x128xf32, #tpu.memory_space<vmem>>
    %dma_wait3A_676 = arith.constant 0 : i32
    %dma_wait3A_677 = arith.constant 0 : i32
    %dma_wait3A_678 = tpu.memref_slice %arg3[%dma_wait3A_672, %dma_wait3A_676, %dma_wait3A_677] : memref<4x8192x128xf32, #tpu.memory_space<hbm>> -> memref<1x8192x128xf32, #tpu.memory_space<hbm>>
    %dma_wait3A_679 = tpu.memref_squeeze %dma_wait3A_678 : memref<1x8192x128xf32, #tpu.memory_space<hbm>> -> memref<8192x128xf32, #tpu.memory_space<hbm>>
    %dma_wait3A_680 = arith.constant 0 : i32
    %dma_wait3A_681 = tpu.memref_slice %dma_wait3A_679[%add3A_363, %dma_wait3A_680] : memref<8192x128xf32, #tpu.memory_space<hbm>> -> memref<64x128xf32, #tpu.memory_space<hbm>>
    %dma_wait3A_682 = arith.constant 0 : i32
    %dma_wait3A_683 = arith.constant 0 : i32
    %dma_wait3A_684 = tpu.memref_slice %arg3[%dma_wait3A_672, %dma_wait3A_682, %dma_wait3A_683] : memref<4x8192x128xf32, #tpu.memory_space<hbm>> -> memref<1x8192x128xf32, #tpu.memory_space<hbm>>
    %dma_wait3A_685 = tpu.memref_squeeze %dma_wait3A_684 : memref<1x8192x128xf32, #tpu.memory_space<hbm>> -> memref<8192x128xf32, #tpu.memory_space<hbm>>
    %dma_wait3A_686 = arith.constant 0 : i32
    %dma_wait3A_687 = tpu.memref_slice %dma_wait3A_685[%add3A_363, %dma_wait3A_686] : memref<8192x128xf32, #tpu.memory_space<hbm>> -> memref<64x128xf32, #tpu.memory_space<hbm>>
    %dma_wait3A_688 = arith.constant 192 : i32
    %dma_wait3A_689 = arith.constant 0 : i32
    %dma_wait3A_690 = tpu.memref_slice %arg4[%dma_wait3A_688, %dma_wait3A_689] : memref<256x128xf32, #tpu.memory_space<vmem>> -> memref<64x128xf32, #tpu.memory_space<vmem>>
    tpu.wait_dma2 semaphore(%arg6 : memref<!tpu.dma_semaphore, #tpu.memory_space<semaphore_mem>>) src(%dma_wait3A_690 : memref<64x128xf32, #tpu.memory_space<vmem>>) dst(%dma_wait3A_687 : memref<64x128xf32, #tpu.memory_space<hbm>>)
    %dma_wait3A_691 = arith.constant 2 : i32
    %dma_wait3A_692 = arith.constant 192 : i32
    %dma_wait3A_693 = arith.constant 0 : i32
    %dma_wait3A_694 = tpu.memref_slice %arg4[%dma_wait3A_692, %dma_wait3A_693] : memref<256x128xf32, #tpu.memory_space<vmem>> -> memref<64x128xf32, #tpu.memory_space<vmem>>
    %dma_wait3A_695 = arith.constant 0 : i32
    %dma_wait3A_696 = arith.constant 0 : i32
    %dma_wait3A_697 = tpu.memref_slice %arg3[%dma_wait3A_691, %dma_wait3A_695, %dma_wait3A_696] : memref<4x8192x128xf32, #tpu.memory_space<hbm>> -> memref<1x8192x128xf32, #tpu.memory_space<hbm>>
    %dma_wait3A_698 = tpu.memref_squeeze %dma_wait3A_697 : memref<1x8192x128xf32, #tpu.memory_space<hbm>> -> memref<8192x128xf32, #tpu.memory_space<hbm>>
    %dma_wait3A_699 = arith.constant 0 : i32
    %dma_wait3A_700 = tpu.memref_slice %dma_wait3A_698[%add3A_384, %dma_wait3A_699] : memref<8192x128xf32, #tpu.memory_space<hbm>> -> memref<64x128xf32, #tpu.memory_space<hbm>>
    %dma_wait3A_701 = arith.constant 0 : i32
    %dma_wait3A_702 = arith.constant 0 : i32
    %dma_wait3A_703 = tpu.memref_slice %arg3[%dma_wait3A_691, %dma_wait3A_701, %dma_wait3A_702] : memref<4x8192x128xf32, #tpu.memory_space<hbm>> -> memref<1x8192x128xf32, #tpu.memory_space<hbm>>
    %dma_wait3A_704 = tpu.memref_squeeze %dma_wait3A_703 : memref<1x8192x128xf32, #tpu.memory_space<hbm>> -> memref<8192x128xf32, #tpu.memory_space<hbm>>
    %dma_wait3A_705 = arith.constant 0 : i32
    %dma_wait3A_706 = tpu.memref_slice %dma_wait3A_704[%add3A_384, %dma_wait3A_705] : memref<8192x128xf32, #tpu.memory_space<hbm>> -> memref<64x128xf32, #tpu.memory_space<hbm>>
    %dma_wait3A_707 = arith.constant 192 : i32
    %dma_wait3A_708 = arith.constant 0 : i32
    %dma_wait3A_709 = tpu.memref_slice %arg4[%dma_wait3A_707, %dma_wait3A_708] : memref<256x128xf32, #tpu.memory_space<vmem>> -> memref<64x128xf32, #tpu.memory_space<vmem>>
    tpu.wait_dma2 semaphore(%arg6 : memref<!tpu.dma_semaphore, #tpu.memory_space<semaphore_mem>>) src(%dma_wait3A_709 : memref<64x128xf32, #tpu.memory_space<vmem>>) dst(%dma_wait3A_706 : memref<64x128xf32, #tpu.memory_space<hbm>>)
    %dma_wait3A_710 = arith.constant 3 : i32
    %dma_wait3A_711 = arith.constant 192 : i32
    %dma_wait3A_712 = arith.constant 0 : i32
    %dma_wait3A_713 = tpu.memref_slice %arg4[%dma_wait3A_711, %dma_wait3A_712] : memref<256x128xf32, #tpu.memory_space<vmem>> -> memref<64x128xf32, #tpu.memory_space<vmem>>
    %dma_wait3A_714 = arith.constant 0 : i32
    %dma_wait3A_715 = arith.constant 0 : i32
    %dma_wait3A_716 = tpu.memref_slice %arg3[%dma_wait3A_710, %dma_wait3A_714, %dma_wait3A_715] : memref<4x8192x128xf32, #tpu.memory_space<hbm>> -> memref<1x8192x128xf32, #tpu.memory_space<hbm>>
    %dma_wait3A_717 = tpu.memref_squeeze %dma_wait3A_716 : memref<1x8192x128xf32, #tpu.memory_space<hbm>> -> memref<8192x128xf32, #tpu.memory_space<hbm>>
    %dma_wait3A_718 = arith.constant 0 : i32
    %dma_wait3A_719 = tpu.memref_slice %dma_wait3A_717[%add3A_405, %dma_wait3A_718] : memref<8192x128xf32, #tpu.memory_space<hbm>> -> memref<64x128xf32, #tpu.memory_space<hbm>>
    %dma_wait3A_720 = arith.constant 0 : i32
    %dma_wait3A_721 = arith.constant 0 : i32
    %dma_wait3A_722 = tpu.memref_slice %arg3[%dma_wait3A_710, %dma_wait3A_720, %dma_wait3A_721] : memref<4x8192x128xf32, #tpu.memory_space<hbm>> -> memref<1x8192x128xf32, #tpu.memory_space<hbm>>
    %dma_wait3A_723 = tpu.memref_squeeze %dma_wait3A_722 : memref<1x8192x128xf32, #tpu.memory_space<hbm>> -> memref<8192x128xf32, #tpu.memory_space<hbm>>
    %dma_wait3A_724 = arith.constant 0 : i32
    %dma_wait3A_725 = tpu.memref_slice %dma_wait3A_723[%add3A_405, %dma_wait3A_724] : memref<8192x128xf32, #tpu.memory_space<hbm>> -> memref<64x128xf32, #tpu.memory_space<hbm>>
    %dma_wait3A_726 = arith.constant 192 : i32
    %dma_wait3A_727 = arith.constant 0 : i32
    %dma_wait3A_728 = tpu.memref_slice %arg4[%dma_wait3A_726, %dma_wait3A_727] : memref<256x128xf32, #tpu.memory_space<vmem>> -> memref<64x128xf32, #tpu.memory_space<vmem>>
    tpu.wait_dma2 semaphore(%arg6 : memref<!tpu.dma_semaphore, #tpu.memory_space<semaphore_mem>>) src(%dma_wait3A_728 : memref<64x128xf32, #tpu.memory_space<vmem>>) dst(%dma_wait3A_725 : memref<64x128xf32, #tpu.memory_space<hbm>>)
    return
  }
}

</mosaic_0001>

<sc_bundles>
// kernel: kernel.3.cloned.1.call-start
scs
__scs_entry_jumppad:
0x0: {  	(pc) =	sbr.rel $0x88, $3  }
0x1: {  	(tag) =	ssettag $0x0;
	lr =	simm.s32 $0x1  }
0x2: {  	[smem:$0x3FA0] =	sst lr;
	_ =	strace $0xD0000000  }
0x3: {  	_ = 	snop  }
0x4: {  	_ = 	snop  }
0x5: {  	_ = 	snop  }
0x6: {  	_ = 	snop  }
0x7: {  	_ = 	snop  }
__scs_overlays_trampoline_lowered:
0x8: {  	[smem:$0x3FAF] =	sst s0  }
0x9: {  	[smem:$0x3FB0] =	sst s1  }
0xa: {  	[smem:$0x3FB1] =	sst s2  }
0xb: {  	[smem:$0x3FB2] =	sst s3  }
0xc: {  	[smem:$0x3FB3] =	sst s4  }
0xd: {  	[smem:$0x3FB4] =	sst s5  }
0xe: {  	[smem:$0x3FB5] =	sst s6  }
0xf: {  	[smem:$0x3FB6] =	sst s7  }
0x10: {  	[smem:$0x3FB7] =	sst s8  }
0x11: {  	[smem:$0x3FB8] =	sst s9;
	s0 =	simm.s32 @!p0 $0x0  }
0x12: {  	s1 =	sld [smem:$0x3F9E];
	s0 =	simm.s32 @p0 $0x1  }
0x13: {  	[smem:$0x3FB9] =	sst s0;
	s0 =	simm.s32 @!p1 $0x0  }
0x14: {  	s2 =	sld [smem:$0x3F9D];
	s0 =	simm.s32 @p1 $0x1  }
0x15: {  	[smem:$0x3FBA] =	sst s0;
	s0 =	simm.s32 @!p2 $0x0  }
0x16: {  	s3 =	sld [smem:$0x3FDB];
	s0 =	simm.s32 @p2 $0x1  }
0x17: {  	s4 =	simm.s32 $0x1BF5;
	[smem:$0x3FBC] =	sst s0  }
0x18: {  	s0 =	sld [smem:$0x3F9F];
	_ =	swait.ge [sflag:s4], $0x0  }
0x19: {  	s7 =	sld [smem:$0x3FA0]  }
0x1a: {  	s8 =	sadd.s32 $0xFFFFE003, lr  }
0x1b: {  	s9 =	sadd.s32 $0xFFFFFEF7, lr;
	s5 =	simm.s32 $0xFFFFFFFF;
	p2 =	slt.u32 s8, $0xFFFFF086  }
0x1c: {  	p1 =	slt.u32 s9, $0xF7A;
	s5 =	simm.s32 @!p2 $0x0  }
0x1d: {  	s5 =	simm.s32 @p1 $0x1;
	p0 =	seq.s32 s7, s2  }
0x1e: {  	s7 =	smul.u32 @!p0 $0xF7A, s2;
	p2 =	seq.s32 @!p0 s5, $0x0  }
0x1f: {  	s9 =	smul.u32 $0xF7A, s1;
	s8 =	simm.s32 @!p0 $0x1BF5;
	p2 =	por !p2, p0  }
0x20: {  	[sflag:s8] =	ssyncset.s32 @!p0 $0xFFFFF086;
	s6 =	sadd.s32 @!p0 s3, s7;
	s7 =	simm.s32 @!p0 $0x108  }
0x21: {  	s3 =	sadd.s32 s3, s9;
	s6 =	sadd.s32 @!p0 $0x88, s6;
	s7 =	simm.s32 @p2 $0x1082  }
0x22: {  	[simem:s7], [sflag:s8] =	dma.local @!p0 [hbm:s6], $0xF7A  }
0x23: {  	s9 =	sor.u32 $0xD0000000, s2;
	s6 =	simm.s32 $0x108;
	_ =	swait.ge @!p0 [sflag:s8], $0x0  }
0x24: {  	s3 =	sadd.s32 $0x88, s3;
	s6 =	simm.s32 @!p1 $0x1082;
	[sflag:s4] =	ssyncset.s32 $0xFFFFF086  }
0x25: {  	[simem:s6], [sflag:s4] =	dma.local [hbm:s3], $0xF7A  }
0x26: {  	[smem:$0x3FA0] =	sst s1;
	(tag) =	ssettag s2;
	_ =	strace s9  }
0x27: {  	s1 =	sld [smem:$0x3FB0]  }
0x28: {  	s2 =	sld [smem:$0x3FB1]  }
0x29: {  	s4 =	sld [smem:$0x3FB3]  }
0x2a: {  	p0 =	seq.s32 s5, $0x0;
	s5 =	sld [smem:$0x3FB4]  }
0x2b: {  	s6 =	sld [smem:$0x3FB5]  }
0x2c: {  	s7 =	sld [smem:$0x3FB6]  }
0x2d: {  	s3 =	simm.s32 $0x108;
	s8 =	sld [smem:$0x3FB7]  }
0x2e: {  	s3 =	simm.s32 @!p0 $0x1082;
	s9 =	sld [smem:$0x3FB8]  }
0x2f: {  	lr =	sadd.s32 s0, s3;
	s0 =	sld [smem:$0x3FAF]  }
0x30: {  	s3 =	sld [smem:$0x3FB2]  }
0x31: {  	[smem:$0x3FBB] =	sst s10  }
0x32: {  	s10 =	sld [smem:$0x3FB9];
	_ =	sdelay $0x3  }
0x33: {  	p0 =	seq.s32 s10, $0x1;
	s10 =	sld [smem:$0x3FBB];
	_ =	sdelay $0x3  }
0x34: {  	[smem:$0x3FBB] =	sst s10  }
0x35: {  	s10 =	sld [smem:$0x3FBA];
	_ =	sdelay $0x3  }
0x36: {  	p1 =	seq.s32 s10, $0x1;
	s10 =	sld [smem:$0x3FBB];
	_ =	sdelay $0x3  }
0x37: {  	[smem:$0x3FBB] =	sst s10  }
0x38: {  	s10 =	sld [smem:$0x3FBC]  }
0x39: {  	_ = 	snop;
	(pc) =	sbr.ind lr, $3  }
0x3a: {  	_ = 	snop  }
0x3b: {  	_ = 	snop  }
0x3c: {  	p2 =	seq.s32 s10, $0x1;
	s10 =	sld [smem:$0x3FBB]  }
0x3d: {  	_ =	shalt  }
0x3e: {  	_ =	shalt  }
0x3f: {  	_ =	shalt  }
0x40: {  	_ =	shalt  }
0x41: {  	_ =	shalt  }
0x42: {  	_ =	shalt  }
0x43: {  	_ =	shalt  }
0x44: {  	_ =	shalt  }
0x45: {  	_ =	shalt  }
0x46: {  	_ =	shalt  }
0x47: {  	_ =	shalt  }
0x48: {  	_ =	shalt  }
0x49: {  	_ =	shalt  }
0x4a: {  	_ =	shalt  }
0x4b: {  	_ =	shalt  }
0x4c: {  	_ =	shalt  }
0x4d: {  	_ =	shalt  }
0x4e: {  	_ =	shalt  }
0x4f: {  	_ =	shalt  }
0x50: {  	_ =	shalt  }
0x51: {  	_ =	shalt  }
0x52: {  	_ =	shalt  }
0x53: {  	_ =	shalt  }
0x54: {  	_ =	shalt  }
0x55: {  	_ =	shalt  }
0x56: {  	_ =	shalt  }
0x57: {  	_ =	shalt  }
0x58: {  	_ =	shalt  }
0x59: {  	_ =	shalt  }
0x5a: {  	_ =	shalt  }
0x5b: {  	_ =	shalt  }
0x5c: {  	_ =	shalt  }
0x5d: {  	_ =	shalt  }
0x5e: {  	_ =	shalt  }
0x5f: {  	_ =	shalt  }
0x60: {  	_ =	shalt  }
0x61: {  	_ =	shalt  }
0x62: {  	_ =	shalt  }
0x63: {  	_ =	shalt  }
0x64: {  	_ =	shalt  }
0x65: {  	_ =	shalt  }
0x66: {  	_ =	shalt  }
0x67: {  	_ =	shalt  }
0x68: {  	_ =	shalt  }
0x69: {  	_ =	shalt  }
0x6a: {  	_ =	shalt  }
0x6b: {  	_ =	shalt  }
0x6c: {  	_ =	shalt  }
0x6d: {  	_ =	shalt  }
0x6e: {  	_ =	shalt  }
0x6f: {  	_ =	shalt  }
0x70: {  	_ =	shalt  }
0x71: {  	_ =	shalt  }
0x72: {  	_ =	shalt  }
0x73: {  	_ =	shalt  }
0x74: {  	_ =	shalt  }
0x75: {  	_ =	shalt  }
0x76: {  	_ =	shalt  }
0x77: {  	_ =	shalt  }
0x78: {  	_ =	shalt  }
0x79: {  	_ =	shalt  }
0x7a: {  	_ =	shalt  }
0x7b: {  	_ =	shalt  }
0x7c: {  	_ =	shalt  }
0x7d: {  	_ =	shalt  }
0x7e: {  	_ =	shalt  }
0x7f: {  	_ =	shalt  }
0x80: {  	_ =	shalt  }
0x81: {  	_ =	shalt  }
0x82: {  	_ =	shalt  }
0x83: {  	_ =	shalt  }
0x84: {  	_ =	shalt  }
0x85: {  	_ =	shalt  }
0x86: {  	_ =	shalt  }
0x87: {  	_ =	shalt  }
.Lfunc_end0:
.L_simem_size_0:
called_computation_lowered:
.L_overlay_start_0:
0x88: {  	s2 =	sld [smem:$0x3FD9]  }
0x89: {  	s3 =	sld [smem:$0x3FFE];
	_ =	sdelay $0x1  }
0x8a: {  	s1 =	srdreg.scid  }
0x8b: {  	s0 =	sand.u32 $0x1, s1  }
0x8c: {  	s18 =	sshll.u32 s0, $0xA;
	s2 =	sadd.s32 s3, s2  }
0x8d: {  	s2 =	sadd.s32 s2, s18  }
0x8e: {  	[smem:$0x3FC7] =	sst s2  }
0x8f: {  	_ = 	snop  }
0x90: {  	s2 =	sld [smem:$0x3FC9]  }
0x91: {  	s19 =	sld [smem:$0x3FD0];
	(tm) =	ssettm $0x1  }
0x92: {  	s4 =	sld [smem:$0x3FFB];
	_ =	sdelay $0x3  }
0x93: {  	_ =	strace s4  }
0x94: {  	s4 =	sld [smem:$0x3FFC];
	_ =	sdelay $0x3  }
0x95: {  	_ =	strace s4  }
0x96: {  	s4 =	sld [smem:$0x3FFD];
	_ =	sdelay $0x3  }
0x97: {  	_ =	strace s4  }
0x98: {  	_ =	strace $0x8FFFFFFF  }
0x99: {  	s20 =	sld [smem:$0x3FDB];
	_ =	sdelay $0x1  }
0x9a: {  	s5 =	simm.s32 $_scs_section_size  }
0x9b: {  	s6 =	simm.s32 $_size__tile_overlayer_lowered;
	s7 =	simm.s32 $_tile_overlayer_lowered  }
0x9c: {  	s23 =	simm.s32 $0x1BFF;
	s22 =	sshll.u32 s7, $0x1;
	s4 =	sadd.s32 s5, s20  }
0x9d: {  	s8 =	simm.s32 $0x0;
	s21 =	sshll.u32 s6, $0x1;
	s6 =	sadd.s32 s22, s4  }
0x9e: {  	[timem:s8], [sflag:s23] =	dma.local [hbm:s6], s21  }
0x9f: {  	_ =	swait.ge [sflag:s23], s21  }
0xa0: {  	s5 =	ssub.s32 $0x0, s21;
	[sflag:s23] =	ssyncset.done $0x0  }
0xa1: {  	[sflag:s23] =	ssyncadd.s32 s5;
	_ =	sdelay $0x1  }
0xa2: {  	s24 =	simm.s32 $0x1B8B  }
0xa3: {  	_ =	swait.ge [sflag:s24], $0x1  }
0xa4: {  	[sflag:s24] =	ssyncset.done $0x0  }
0xa5: {  	s25 =	simm.s32 $0x1B8E;
	[sflag:s24] =	ssyncadd.s32 $0xFFFFFFFF  }
0xa6: {  	s26 =	simm.s32 $execute0_lowered;
	[smem:$0x3FD2] =	sst s25  }
0xa7: {  	s5 =	sshll.u32 s26, $0x1;
	_ =	strace $0x80000046;
	[dreg:$0x1] =	wrdreg $0xFFFFFFFF  }
0xa8: {  	s28 =	simm.s32 $_size_execute0_lowered;
	s4 =	sadd.s32 s4, s5;
	[dreg:$0x0] =	wrdreg $0x0  }
0xa9: {  	s5 =	sshll.u32 s28, $0x1;
	[dreg:$0x2] =	wrdreg s4  }
0xaa: {  	[dreg:$0x3] =	wrdreg s5  }
0xab: {  	[dreg:$0x4] =	wrdreg $0xC0  }
0xac: {  	_ =	task [dreg:s8], $0x5FFFF  }
0xad: {  	[dreg:$0x1] =	wrdreg $0xFFFFFFFF  }
0xae: {  	[dreg:$0x0] =	wrdreg $0x60  }
0xaf: {  	[dreg:$0x2] =	wrdreg s2  }
0xb0: {  	[dreg:$0x3] =	wrdreg s19  }
0xb1: {  	[dreg:$0x4] =	wrdreg $0x9  }
0xb2: {  	_ =	task.clear_ibuf [dreg:s8], $0x5FFFF;
	_ =	strace $0x90000046  }
0xb3: {  	s29 =	simm.s32 $0x9;
	_ =	strace $0x80000048  }
0xb4: {  	_ =	swait.ge [sflag:s29], $0x1  }
0xb5: {  	[sflag:s29] =	ssyncadd.s32 $0xFFFFFFFF  }
0xb6: {  	_ =	strace $0x90000048  }
0xb7: {  	_ =	sfence  }
0xb8: {  	s30 =	sld [smem:$0x0];
	_ =	sdelay $0x2  }
0xb9: {  	s31 =	sshll.u32 s1, $0xD;
	s1 =	sshrl.u32 s1, $0x2  }
0xba: {  	s3 =	sand.u32 $0x4000, s31;
	s1 =	sadd.s32 s1, s30  }
0xbb: {  	s0 =	sor.u32 s3, s0;
	s1 =	sshll.u32 s1, $0x11  }
0xbc: {  	s0 =	sor.u32 s1, s0  }
0xbd: {  	s0 =	sadd.s32 $0x8F2B, s0  }
0xbe: {  	[sflag:s0] =	ssyncadd.remote.s32 $0x1  }
0xbf: {  	_ =	sfence.sel $0xFFFF  }
0xc0: {  	[dreg:$0x0] =	wrdreg $0xFFFFFFFF;
	(pc) =	sbr.abs _section_cstart, $3  }
0xc1: {  	[dreg:$0x1] =	wrdreg $0xFFFFFFFF  }
0xc2: {  	_ =	task.clear_ibuf [dreg:s8], $0x2FFFF;
	_ =	strace $0x9FFFFFFF  }
0xc3: {  	(tm) =	ssettm $0x7FFFFFFF  }
tec
execute0_lowered:
.L_overlay_start_1:
0x0: {  	(tag) =	ssettag $0x1  }
0x1: {  	s0 =	rddreg [dreg:$0x0]  }
0x2: {  	s1 =	rddreg [dreg:$0x1]  }
0x3: {  	s7 =	rddreg [dreg:$0x2];
	s2 =	srdreg.scid;
	s3 =	simm.s32 $0x0  }
0x4: {  	s25 =	stileid.u32;
	s16 =	simm.s32 $0x2000;
	s13 =	simm.s32 $0x4000  }
0x5: {  	s9 =	simm.s32 $0x6000;
	s12 =	simm.s32 $0x1;
	p0 =	por $0x0, $0x0  }
0x6: {  	s2 =	sand.u32 $0x1, s2;
	[smem:$0x7FF] =	sst s3;
	s4 =	sshll.u32 s25, $0xD  }
0x7: {  	s30 =	sadd.s32 $0x20000, s1;
	s31 =	sadd.s32 $0x40000, s1;
	s5 =	sshll.u32 s2, $0xC  }
0x8: {  	_ =	strace $0x80000047;
	s2 =	ssub.s32 $0x2, s2;
	s6 =	sor.u32 s5, s4  }
0x9: {  	s26 =	sshrl.u32 s2, $0x1;
	s5 =	sadd.s32 s0, s6;
	s10 =	sor.u32 $0x400, s6  }
0xa: {  	s2 =	ssub.s32 s2, s26;
	s8 =	sor.u32 $0x800, s6;
	s4 =	sor.u32 $0xC00, s6  }
0xb: {  	s17 =	sadd.s32 s1, s6;
	s22 =	sadd.s32 s6, s30;
	s29 =	smax.u32 s2, $0x1  }
0xc: {  	s23 =	sadd.s32 s6, s31;
	[dreg:$0x3] =	wrdreg s5;
	p1 =	sne.s32 s29, $0x1  }
.Ltmp0:
0xd: {  	s28 =	sadd.s32 s0, s10;
	s18 =	sadd.s32 s0, s8;
	(pc) =	sbr.rel @!p1 .LBB2_5-.Ltmp0, $4  }
0xe: {  	s19 =	sadd.s32 s0, s4;
	s5 =	sadd.s32 $0x60000, s1;
	s15 =	sadd.s32 s1, s10  }
0xf: {  	s14 =	sadd.s32 s1, s8;
	s11 =	sadd.s32 s1, s4;
	s20 =	sadd.s32 s10, s30  }
0x10: {  	s21 =	sadd.s32 s10, s31;
	s2 =	simm.s32 $0x2;
	[dreg:$0x4] =	wrdreg s28  }
0x11: {  	s24 =	sadd.s32 s6, s5;
	s1 =	sadd.s32 $0xFFFFFFFF, s29;
	s6 =	rddreg [dreg:$0x3]  }
0x12: {  	[tilespmem:s3], [sflag:$0x1] =	stream.linear.gather [hbm4b:s6+s3], $0x2000, $0x38;
	[tilespmem:$0x8000] =	vst v63  }
0x13: {  	s0 =	rddreg [dreg:$0x4]  }
0x14: {  	[tilespmem:s16], [sflag:$0x1] =	stream.linear.gather [hbm4b:s0+s3], $0x2000, $0x38;
	[tilespmem:$0x8000] =	vst v63  }
0x15: {  	_ = 	snop  }
0x16: {  	[tilespmem:s13], [sflag:$0x1] =	stream.linear.gather [hbm4b:s18+s3], $0x2000, $0x38;
	[tilespmem:$0x8000] =	vst v63  }
0x17: {  	_ = 	snop  }
0x18: {  	[tilespmem:s9], [sflag:$0x1] =	stream.linear.gather [hbm4b:s19+s3], $0x2000, $0x38;
	[tilespmem:$0x8000] =	vst v63  }
0x19: {  	_ =	swait.ge [sflag:s12], $0x2000  }
0x1a: {  	[sflag:s12] =	ssyncset.done $0x0  }
0x1b: {  	[sflag:s12] =	ssyncadd.s32 $0xFFFFE000  }
0x1c: {  	[hbm4b:s17+s3] =	stream.linear.scatter [tilespmem:s3], [sflag:$0x2], $0x2000, $0x38;
	[tilespmem:$0x8000] =	vst v63  }
0x1d: {  	_ = 	snop  }
0x1e: {  	[hbm4b:s22+s3] =	stream.linear.scatter [tilespmem:s3], [sflag:$0x2], $0x2000, $0x38;
	[tilespmem:$0x8000] =	vst v63  }
0x1f: {  	_ = 	snop  }
0x20: {  	[hbm4b:s23+s3] =	stream.linear.scatter [tilespmem:s3], [sflag:$0x2], $0x2000, $0x38;
	[tilespmem:$0x8000] =	vst v63  }
0x21: {  	_ = 	snop  }
0x22: {  	[hbm4b:s24+s3] =	stream.linear.scatter [tilespmem:s3], [sflag:$0x2], $0x2000, $0x38;
	[tilespmem:$0x8000] =	vst v63  }
0x23: {  	_ =	swait.ge [sflag:s12], $0x2000  }
0x24: {  	[sflag:s12] =	ssyncset.done $0x0  }
0x25: {  	[sflag:s12] =	ssyncadd.s32 $0xFFFFE000  }
0x26: {  	[hbm4b:s15+s3] =	stream.linear.scatter [tilespmem:s16], [sflag:$0x2], $0x2000, $0x38;
	[tilespmem:$0x8000] =	vst v63  }
0x27: {  	_ = 	snop  }
0x28: {  	[hbm4b:s20+s3] =	stream.linear.scatter [tilespmem:s16], [sflag:$0x2], $0x2000, $0x38;
	[tilespmem:$0x8000] =	vst v63  }
0x29: {  	_ = 	snop  }
0x2a: {  	[hbm4b:s21+s3] =	stream.linear.scatter [tilespmem:s16], [sflag:$0x2], $0x2000, $0x38;
	[tilespmem:$0x8000] =	vst v63  }
0x2b: {  	s25 =	sadd.s32 s10, s5  }
0x2c: {  	[hbm4b:s25+s3] =	stream.linear.scatter [tilespmem:s16], [sflag:$0x2], $0x2000, $0x38;
	[tilespmem:$0x8000] =	vst v63  }
0x2d: {  	_ =	swait.ge [sflag:s12], $0x2000  }
0x2e: {  	[sflag:s12] =	ssyncset.done $0x0  }
0x2f: {  	[sflag:s12] =	ssyncadd.s32 $0xFFFFE000  }
0x30: {  	[hbm4b:s14+s3] =	stream.linear.scatter [tilespmem:s13], [sflag:$0x2], $0x2000, $0x38;
	[tilespmem:$0x8000] =	vst v63  }
0x31: {  	s26 =	sadd.s32 s8, s30  }
0x32: {  	[hbm4b:s26+s3] =	stream.linear.scatter [tilespmem:s13], [sflag:$0x2], $0x2000, $0x38;
	[tilespmem:$0x8000] =	vst v63  }
0x33: {  	s28 =	sadd.s32 s8, s31  }
0x34: {  	[hbm4b:s28+s3] =	stream.linear.scatter [tilespmem:s13], [sflag:$0x2], $0x2000, $0x38;
	[tilespmem:$0x8000] =	vst v63  }
0x35: {  	s29 =	sadd.s32 s8, s5  }
0x36: {  	[hbm4b:s29+s3] =	stream.linear.scatter [tilespmem:s13], [sflag:$0x2], $0x2000, $0x38;
	[tilespmem:$0x8000] =	vst v63  }
0x37: {  	_ =	swait.ge [sflag:s12], $0x2000  }
0x38: {  	[sflag:s12] =	ssyncset.done $0x0  }
0x39: {  	[sflag:s12] =	ssyncadd.s32 $0xFFFFE000  }
0x3a: {  	[hbm4b:s11+s3] =	stream.linear.scatter [tilespmem:s9], [sflag:$0x2], $0x2000, $0x38;
	[tilespmem:$0x8000] =	vst v63  }
0x3b: {  	[dreg:$0x6] =	wrdreg s30;
	s30 =	sadd.s32 s4, s30  }
0x3c: {  	[hbm4b:s30+s3] =	stream.linear.scatter [tilespmem:s9], [sflag:$0x2], $0x2000, $0x38;
	[tilespmem:$0x8000] =	vst v63  }
0x3d: {  	[dreg:$0x5] =	wrdreg s31;
	s31 =	sadd.s32 s4, s31  }
0x3e: {  	[hbm4b:s31+s3] =	stream.linear.scatter [tilespmem:s9], [sflag:$0x2], $0x2000, $0x38;
	[tilespmem:$0x8000] =	vst v63  }
0x3f: {  	s0 =	sadd.s32 s4, s5  }
0x40: {  	[hbm4b:s0+s3] =	stream.linear.scatter [tilespmem:s9], [sflag:$0x2], $0x2000, $0x38;
	[tilespmem:$0x8000] =	vst v63  }
0x41: {  	_ =	swait.ge [sflag:s2], $0x2000  }
0x42: {  	[sflag:s2] =	ssyncset.done $0x0  }
0x43: {  	[sflag:s2] =	ssyncadd.s32 $0xFFFFE000  }
0x44: {  	_ =	swait.ge [sflag:s2], $0x2000  }
0x45: {  	[sflag:s2] =	ssyncset.done $0x0  }
0x46: {  	[sflag:s2] =	ssyncadd.s32 $0xFFFFE000  }
0x47: {  	_ =	swait.ge [sflag:s2], $0x2000  }
0x48: {  	[sflag:s2] =	ssyncset.done $0x0  }
0x49: {  	[sflag:s2] =	ssyncadd.s32 $0xFFFFE000  }
0x4a: {  	_ =	swait.ge [sflag:s2], $0x2000  }
0x4b: {  	[sflag:s2] =	ssyncset.done $0x0  }
0x4c: {  	[sflag:s2] =	ssyncadd.s32 $0xFFFFE000  }
0x4d: {  	_ =	swait.ge [sflag:s2], $0x2000  }
0x4e: {  	[sflag:s2] =	ssyncset.done $0x0  }
0x4f: {  	[sflag:s2] =	ssyncadd.s32 $0xFFFFE000  }
0x50: {  	_ =	swait.ge [sflag:s2], $0x2000  }
0x51: {  	[sflag:s2] =	ssyncset.done $0x0  }
0x52: {  	[sflag:s2] =	ssyncadd.s32 $0xFFFFE000  }
0x53: {  	_ =	swait.ge [sflag:s2], $0x2000  }
0x54: {  	[sflag:s2] =	ssyncset.done $0x0  }
0x55: {  	[sflag:s2] =	ssyncadd.s32 $0xFFFFE000  }
0x56: {  	_ =	swait.ge [sflag:s2], $0x2000  }
0x57: {  	[sflag:s2] =	ssyncset.done $0x0  }
0x58: {  	[sflag:s2] =	ssyncadd.s32 $0xFFFFE000  }
0x59: {  	_ =	swait.ge [sflag:s2], $0x2000  }
0x5a: {  	[sflag:s2] =	ssyncset.done $0x0  }
0x5b: {  	[sflag:s2] =	ssyncadd.s32 $0xFFFFE000  }
0x5c: {  	_ =	swait.ge [sflag:s2], $0x2000  }
0x5d: {  	[sflag:s2] =	ssyncset.done $0x0  }
0x5e: {  	[sflag:s2] =	ssyncadd.s32 $0xFFFFE000  }
0x5f: {  	_ =	swait.ge [sflag:s2], $0x2000  }
0x60: {  	[sflag:s2] =	ssyncset.done $0x0  }
0x61: {  	[sflag:s2] =	ssyncadd.s32 $0xFFFFE000  }
0x62: {  	_ =	swait.ge [sflag:s2], $0x2000  }
0x63: {  	[sflag:s2] =	ssyncset.done $0x0  }
0x64: {  	[sflag:s2] =	ssyncadd.s32 $0xFFFFE000  }
0x65: {  	_ =	swait.ge [sflag:s2], $0x2000  }
0x66: {  	[sflag:s2] =	ssyncset.done $0x0  }
0x67: {  	[sflag:s2] =	ssyncadd.s32 $0xFFFFE000  }
0x68: {  	_ =	swait.ge [sflag:s2], $0x2000  }
0x69: {  	[sflag:s2] =	ssyncset.done $0x0  }
0x6a: {  	p1 =	sne.s32 s1, $0x1;
	[sflag:s2] =	ssyncadd.s32 $0xFFFFE000  }
.Ltmp1:
0x6b: {  	_ =	swait.ge [sflag:s2], $0x2000;
	(pc) =	sbr.rel @!p1 .LBB2_2-.Ltmp1, $4  }
0x6c: {  	[sflag:s2] =	ssyncset.done $0x0  }
0x6d: {  	[sflag:s2] =	ssyncadd.s32 $0xFFFFE000  }
0x6e: {  	s1 =	sadd.s32 $0xFFFFFFFF, s1;
	_ =	swait.ge [sflag:s2], $0x2000  }
0x6f: {  	p0 =	por $0x1, $0x1;
	s6 =	rddreg [dreg:$0x3];
	[sflag:s2] =	ssyncset.done $0x0  }
.LBB2_3:
0x70: {  	[sflag:s2] =	ssyncadd.s32 $0xFFFFE000  }
0x71: {  	[tilespmem:s3], [sflag:$0x1] =	stream.linear.gather [hbm4b:s6+s3], $0x2000, $0x38;
	[tilespmem:$0x8000] =	vst v63  }
0x72: {  	s7 =	rddreg [dreg:$0x4]  }
0x73: {  	[tilespmem:s16], [sflag:$0x1] =	stream.linear.gather [hbm4b:s7+s3], $0x2000, $0x38;
	[tilespmem:$0x8000] =	vst v63  }
0x74: {  	_ = 	snop  }
0x75: {  	[tilespmem:s13], [sflag:$0x1] =	stream.linear.gather [hbm4b:s18+s3], $0x2000, $0x38;
	[tilespmem:$0x8000] =	vst v63  }
0x76: {  	_ = 	snop  }
0x77: {  	[tilespmem:s9], [sflag:$0x1] =	stream.linear.gather [hbm4b:s19+s3], $0x2000, $0x38;
	[tilespmem:$0x8000] =	vst v63  }
0x78: {  	_ =	swait.ge [sflag:s12], $0x2000  }
0x79: {  	[sflag:s12] =	ssyncset.done $0x0  }
0x7a: {  	[sflag:s12] =	ssyncadd.s32 $0xFFFFE000  }
0x7b: {  	[hbm4b:s17+s3] =	stream.linear.scatter [tilespmem:s3], [sflag:$0x2], $0x2000, $0x38;
	[tilespmem:$0x8000] =	vst v63  }
0x7c: {  	_ = 	snop  }
0x7d: {  	[hbm4b:s22+s3] =	stream.linear.scatter [tilespmem:s3], [sflag:$0x2], $0x2000, $0x38;
	[tilespmem:$0x8000] =	vst v63  }
0x7e: {  	_ = 	snop  }
0x7f: {  	[hbm4b:s23+s3] =	stream.linear.scatter [tilespmem:s3], [sflag:$0x2], $0x2000, $0x38;
	[tilespmem:$0x8000] =	vst v63  }
0x80: {  	_ = 	snop  }
0x81: {  	[hbm4b:s24+s3] =	stream.linear.scatter [tilespmem:s3], [sflag:$0x2], $0x2000, $0x38;
	[tilespmem:$0x8000] =	vst v63  }
0x82: {  	_ =	swait.ge [sflag:s12], $0x2000  }
0x83: {  	[sflag:s12] =	ssyncset.done $0x0  }
0x84: {  	[sflag:s12] =	ssyncadd.s32 $0xFFFFE000  }
0x85: {  	[hbm4b:s15+s3] =	stream.linear.scatter [tilespmem:s16], [sflag:$0x2], $0x2000, $0x38;
	[tilespmem:$0x8000] =	vst v63  }
0x86: {  	_ = 	snop  }
0x87: {  	[hbm4b:s20+s3] =	stream.linear.scatter [tilespmem:s16], [sflag:$0x2], $0x2000, $0x38;
	[tilespmem:$0x8000] =	vst v63  }
0x88: {  	_ = 	snop  }
0x89: {  	[hbm4b:s21+s3] =	stream.linear.scatter [tilespmem:s16], [sflag:$0x2], $0x2000, $0x38;
	[tilespmem:$0x8000] =	vst v63  }
0x8a: {  	_ = 	snop  }
0x8b: {  	[hbm4b:s25+s3] =	stream.linear.scatter [tilespmem:s16], [sflag:$0x2], $0x2000, $0x38;
	[tilespmem:$0x8000] =	vst v63  }
0x8c: {  	_ =	swait.ge [sflag:s12], $0x2000  }
0x8d: {  	[sflag:s12] =	ssyncset.done $0x0  }
0x8e: {  	[sflag:s12] =	ssyncadd.s32 $0xFFFFE000  }
0x8f: {  	[hbm4b:s14+s3] =	stream.linear.scatter [tilespmem:s13], [sflag:$0x2], $0x2000, $0x38;
	[tilespmem:$0x8000] =	vst v63  }
0x90: {  	_ = 	snop  }
0x91: {  	[hbm4b:s26+s3] =	stream.linear.scatter [tilespmem:s13], [sflag:$0x2], $0x2000, $0x38;
	[tilespmem:$0x8000] =	vst v63  }
0x92: {  	_ = 	snop  }
0x93: {  	[hbm4b:s28+s3] =	stream.linear.scatter [tilespmem:s13], [sflag:$0x2], $0x2000, $0x38;
	[tilespmem:$0x8000] =	vst v63  }
0x94: {  	_ = 	snop  }
0x95: {  	[hbm4b:s29+s3] =	stream.linear.scatter [tilespmem:s13], [sflag:$0x2], $0x2000, $0x38;
	[tilespmem:$0x8000] =	vst v63  }
0x96: {  	_ =	swait.ge [sflag:s12], $0x2000  }
0x97: {  	[sflag:s12] =	ssyncset.done $0x0  }
0x98: {  	[sflag:s12] =	ssyncadd.s32 $0xFFFFE000  }
0x99: {  	[hbm4b:s11+s3] =	stream.linear.scatter [tilespmem:s9], [sflag:$0x2], $0x2000, $0x38;
	[tilespmem:$0x8000] =	vst v63  }
0x9a: {  	_ = 	snop  }
0x9b: {  	[hbm4b:s30+s3] =	stream.linear.scatter [tilespmem:s9], [sflag:$0x2], $0x2000, $0x38;
	[tilespmem:$0x8000] =	vst v63  }
0x9c: {  	_ = 	snop  }
0x9d: {  	[hbm4b:s31+s3] =	stream.linear.scatter [tilespmem:s9], [sflag:$0x2], $0x2000, $0x38;
	[tilespmem:$0x8000] =	vst v63  }
0x9e: {  	_ = 	snop  }
0x9f: {  	[hbm4b:s0+s3] =	stream.linear.scatter [tilespmem:s9], [sflag:$0x2], $0x2000, $0x38;
	[tilespmem:$0x8000] =	vst v63  }
0xa0: {  	_ =	swait.ge [sflag:s2], $0x2000  }
0xa1: {  	[sflag:s2] =	ssyncset.done $0x0  }
0xa2: {  	[sflag:s2] =	ssyncadd.s32 $0xFFFFE000  }
0xa3: {  	_ =	swait.ge [sflag:s2], $0x2000  }
0xa4: {  	[sflag:s2] =	ssyncset.done $0x0  }
0xa5: {  	[sflag:s2] =	ssyncadd.s32 $0xFFFFE000  }
0xa6: {  	_ =	swait.ge [sflag:s2], $0x2000  }
0xa7: {  	[sflag:s2] =	ssyncset.done $0x0  }
0xa8: {  	[sflag:s2] =	ssyncadd.s32 $0xFFFFE000  }
0xa9: {  	_ =	swait.ge [sflag:s2], $0x2000  }
0xaa: {  	[sflag:s2] =	ssyncset.done $0x0  }
0xab: {  	[sflag:s2] =	ssyncadd.s32 $0xFFFFE000  }
0xac: {  	_ =	swait.ge [sflag:s2], $0x2000  }
0xad: {  	[sflag:s2] =	ssyncset.done $0x0  }
0xae: {  	[sflag:s2] =	ssyncadd.s32 $0xFFFFE000  }
0xaf: {  	_ =	swait.ge [sflag:s2], $0x2000  }
0xb0: {  	[sflag:s2] =	ssyncset.done $0x0  }
0xb1: {  	[sflag:s2] =	ssyncadd.s32 $0xFFFFE000  }
0xb2: {  	_ =	swait.ge [sflag:s2], $0x2000  }
0xb3: {  	[sflag:s2] =	ssyncset.done $0x0  }
0xb4: {  	[sflag:s2] =	ssyncadd.s32 $0xFFFFE000  }
0xb5: {  	_ =	swait.ge [sflag:s2], $0x2000  }
0xb6: {  	[sflag:s2] =	ssyncset.done $0x0  }
0xb7: {  	[sflag:s2] =	ssyncadd.s32 $0xFFFFE000  }
0xb8: {  	_ =	swait.ge [sflag:s2], $0x2000  }
0xb9: {  	[sflag:s2] =	ssyncset.done $0x0  }
0xba: {  	[sflag:s2] =	ssyncadd.s32 $0xFFFFE000  }
0xbb: {  	_ =	swait.ge [sflag:s2], $0x2000  }
0xbc: {  	[sflag:s2] =	ssyncset.done $0x0  }
0xbd: {  	[sflag:s2] =	ssyncadd.s32 $0xFFFFE000  }
0xbe: {  	_ =	swait.ge [sflag:s2], $0x2000  }
0xbf: {  	[sflag:s2] =	ssyncset.done $0x0  }
0xc0: {  	[sflag:s2] =	ssyncadd.s32 $0xFFFFE000  }
0xc1: {  	_ =	swait.ge [sflag:s2], $0x2000  }
0xc2: {  	[sflag:s2] =	ssyncset.done $0x0  }
0xc3: {  	[sflag:s2] =	ssyncadd.s32 $0xFFFFE000  }
0xc4: {  	_ =	swait.ge [sflag:s2], $0x2000  }
0xc5: {  	[sflag:s2] =	ssyncset.done $0x0  }
0xc6: {  	[sflag:s2] =	ssyncadd.s32 $0xFFFFE000  }
0xc7: {  	_ =	swait.ge [sflag:s2], $0x2000  }
0xc8: {  	[sflag:s2] =	ssyncset.done $0x0  }
0xc9: {  	p1 =	sne.s32 s1, $0x1;
	[sflag:s2] =	ssyncadd.s32 $0xFFFFE000  }
.Ltmp2:
0xca: {  	_ =	swait.ge [sflag:s2], $0x2000;
	(pc) =	sbr.rel @p1 .LBB2_3-.Ltmp2, $4  }
0xcb: {  	[sflag:s2] =	ssyncset.done $0x0  }
0xcc: {  	[sflag:s2] =	ssyncadd.s32 $0xFFFFE000  }
0xcd: {  	_ =	swait.ge [sflag:s2], $0x2000  }
0xce: {  	s1 =	sadd.s32 $0xFFFFFFFF, s1;
	s6 =	rddreg [dreg:$0x3];
	[sflag:s2] =	ssyncset.done $0x0  }
0xcf: {  	s7 =	rddreg [dreg:$0x2]  }
0xd0: {  	s31 =	rddreg [dreg:$0x5]  }
0xd1: {  	s25 =	stileid.u32;
	s30 =	rddreg [dreg:$0x6]  }
.LBB2_5:
0xd2: {  	[sflag:s2] =	ssyncadd.s32 @p0 $0xFFFFE000  }
0xd3: {  	[tilespmem:s3], [sflag:$0x1] =	stream.linear.gather [hbm4b:s6+s3], $0x2000, $0x38;
	[tilespmem:$0x8000] =	vst v63  }
0xd4: {  	s0 =	rddreg [dreg:$0x4]  }
0xd5: {  	[tilespmem:s16], [sflag:$0x1] =	stream.linear.gather [hbm4b:s0+s3], $0x2000, $0x38;
	[tilespmem:$0x8000] =	vst v63  }
0xd6: {  	_ = 	snop  }
0xd7: {  	[tilespmem:s13], [sflag:$0x1] =	stream.linear.gather [hbm4b:s18+s3], $0x2000, $0x38;
	[tilespmem:$0x8000] =	vst v63  }
0xd8: {  	_ = 	snop  }
0xd9: {  	[tilespmem:s9], [sflag:$0x1] =	stream.linear.gather [hbm4b:s19+s3], $0x2000, $0x38;
	[tilespmem:$0x8000] =	vst v63  }
0xda: {  	_ =	swait.ge [sflag:s12], $0x2000  }
0xdb: {  	[sflag:s12] =	ssyncset.done $0x0  }
0xdc: {  	[sflag:s12] =	ssyncadd.s32 $0xFFFFE000  }
0xdd: {  	[hbm4b:s17+s3] =	stream.linear.scatter [tilespmem:s3], [sflag:$0x2], $0x2000, $0x38;
	[tilespmem:$0x8000] =	vst v63  }
0xde: {  	_ = 	snop  }
0xdf: {  	[hbm4b:s22+s3] =	stream.linear.scatter [tilespmem:s3], [sflag:$0x2], $0x2000, $0x38;
	[tilespmem:$0x8000] =	vst v63  }
0xe0: {  	_ = 	snop  }
0xe1: {  	[hbm4b:s23+s3] =	stream.linear.scatter [tilespmem:s3], [sflag:$0x2], $0x2000, $0x38;
	[tilespmem:$0x8000] =	vst v63  }
0xe2: {  	_ = 	snop  }
0xe3: {  	[hbm4b:s24+s3] =	stream.linear.scatter [tilespmem:s3], [sflag:$0x2], $0x2000, $0x38;
	[tilespmem:$0x8000] =	vst v63  }
0xe4: {  	_ =	swait.ge [sflag:s12], $0x2000  }
0xe5: {  	[sflag:s12] =	ssyncset.done $0x0  }
0xe6: {  	[sflag:s12] =	ssyncadd.s32 $0xFFFFE000  }
0xe7: {  	[hbm4b:s15+s3] =	stream.linear.scatter [tilespmem:s16], [sflag:$0x2], $0x2000, $0x38;
	[tilespmem:$0x8000] =	vst v63  }
0xe8: {  	_ = 	snop  }
0xe9: {  	[hbm4b:s20+s3] =	stream.linear.scatter [tilespmem:s16], [sflag:$0x2], $0x2000, $0x38;
	[tilespmem:$0x8000] =	vst v63  }
0xea: {  	_ = 	snop  }
0xeb: {  	[hbm4b:s21+s3] =	stream.linear.scatter [tilespmem:s16], [sflag:$0x2], $0x2000, $0x38;
	[tilespmem:$0x8000] =	vst v63  }
0xec: {  	s23 =	sadd.s32 s10, s5  }
0xed: {  	[hbm4b:s23+s3] =	stream.linear.scatter [tilespmem:s16], [sflag:$0x2], $0x2000, $0x38;
	[tilespmem:$0x8000] =	vst v63  }
0xee: {  	_ =	swait.ge [sflag:s12], $0x2000  }
0xef: {  	[sflag:s12] =	ssyncset.done $0x0  }
0xf0: {  	[sflag:s12] =	ssyncadd.s32 $0xFFFFE000  }
0xf1: {  	[hbm4b:s14+s3] =	stream.linear.scatter [tilespmem:s13], [sflag:$0x2], $0x2000, $0x38;
	[tilespmem:$0x8000] =	vst v63  }
0xf2: {  	s24 =	sadd.s32 s8, s30  }
0xf3: {  	[hbm4b:s24+s3] =	stream.linear.scatter [tilespmem:s13], [sflag:$0x2], $0x2000, $0x38;
	[tilespmem:$0x8000] =	vst v63  }
0xf4: {  	s26 =	sadd.s32 s8, s31  }
0xf5: {  	[hbm4b:s26+s3] =	stream.linear.scatter [tilespmem:s13], [sflag:$0x2], $0x2000, $0x38;
	[tilespmem:$0x8000] =	vst v63  }
0xf6: {  	s28 =	sadd.s32 s8, s5  }
0xf7: {  	[hbm4b:s28+s3] =	stream.linear.scatter [tilespmem:s13], [sflag:$0x2], $0x2000, $0x38;
	[tilespmem:$0x8000] =	vst v63  }
0xf8: {  	_ =	swait.ge [sflag:s12], $0x2000  }
0xf9: {  	[sflag:s12] =	ssyncset.done $0x0  }
0xfa: {  	[sflag:s12] =	ssyncadd.s32 $0xFFFFE000  }
0xfb: {  	[hbm4b:s11+s3] =	stream.linear.scatter [tilespmem:s9], [sflag:$0x2], $0x2000, $0x38;
	[tilespmem:$0x8000] =	vst v63  }
0xfc: {  	s29 =	sadd.s32 s4, s30  }
0xfd: {  	[hbm4b:s29+s3] =	stream.linear.scatter [tilespmem:s9], [sflag:$0x2], $0x2000, $0x38;
	[tilespmem:$0x8000] =	vst v63  }
0xfe: {  	s30 =	sadd.s32 s4, s31  }
0xff: {  	[hbm4b:s30+s3] =	stream.linear.scatter [tilespmem:s9], [sflag:$0x2], $0x2000, $0x38;
	[tilespmem:$0x8000] =	vst v63  }
0x100: {  	s31 =	sadd.s32 s4, s5  }
0x101: {  	[hbm4b:s31+s3] =	stream.linear.scatter [tilespmem:s9], [sflag:$0x2], $0x2000, $0x38;
	[tilespmem:$0x8000] =	vst v63  }
0x102: {  	_ =	swait.ge [sflag:s2], $0x2000  }
0x103: {  	[sflag:s2] =	ssyncset.done $0x0  }
0x104: {  	[sflag:s2] =	ssyncadd.s32 $0xFFFFE000  }
0x105: {  	_ =	swait.ge [sflag:s2], $0x2000  }
0x106: {  	[sflag:s2] =	ssyncset.done $0x0  }
0x107: {  	[sflag:s2] =	ssyncadd.s32 $0xFFFFE000  }
0x108: {  	_ =	swait.ge [sflag:s2], $0x2000  }
0x109: {  	[sflag:s2] =	ssyncset.done $0x0  }
0x10a: {  	[sflag:s2] =	ssyncadd.s32 $0xFFFFE000  }
0x10b: {  	_ =	swait.ge [sflag:s2], $0x2000  }
0x10c: {  	[sflag:s2] =	ssyncset.done $0x0  }
0x10d: {  	[sflag:s2] =	ssyncadd.s32 $0xFFFFE000  }
0x10e: {  	_ =	swait.ge [sflag:s2], $0x2000  }
0x10f: {  	[sflag:s2] =	ssyncset.done $0x0  }
0x110: {  	[sflag:s2] =	ssyncadd.s32 $0xFFFFE000  }
0x111: {  	_ =	swait.ge [sflag:s2], $0x2000  }
0x112: {  	[sflag:s2] =	ssyncset.done $0x0  }
0x113: {  	[sflag:s2] =	ssyncadd.s32 $0xFFFFE000  }
0x114: {  	_ =	swait.ge [sflag:s2], $0x2000  }
0x115: {  	[sflag:s2] =	ssyncset.done $0x0  }
0x116: {  	[sflag:s2] =	ssyncadd.s32 $0xFFFFE000  }
0x117: {  	_ =	swait.ge [sflag:s2], $0x2000  }
0x118: {  	[sflag:s2] =	ssyncset.done $0x0  }
0x119: {  	[sflag:s2] =	ssyncadd.s32 $0xFFFFE000  }
0x11a: {  	_ =	swait.ge [sflag:s2], $0x2000  }
0x11b: {  	[sflag:s2] =	ssyncset.done $0x0  }
0x11c: {  	[sflag:s2] =	ssyncadd.s32 $0xFFFFE000  }
0x11d: {  	_ =	swait.ge [sflag:s2], $0x2000  }
0x11e: {  	[sflag:s2] =	ssyncset.done $0x0  }
0x11f: {  	[sflag:s2] =	ssyncadd.s32 $0xFFFFE000  }
0x120: {  	_ =	swait.ge [sflag:s2], $0x2000  }
0x121: {  	[sflag:s2] =	ssyncset.done $0x0  }
0x122: {  	[sflag:s2] =	ssyncadd.s32 $0xFFFFE000  }
0x123: {  	_ =	swait.ge [sflag:s2], $0x2000  }
0x124: {  	[sflag:s2] =	ssyncset.done $0x0  }
0x125: {  	[sflag:s2] =	ssyncadd.s32 $0xFFFFE000  }
0x126: {  	_ =	swait.ge [sflag:s2], $0x2000  }
0x127: {  	[sflag:s2] =	ssyncset.done $0x0  }
0x128: {  	[sflag:s2] =	ssyncadd.s32 $0xFFFFE000  }
0x129: {  	_ =	swait.ge [sflag:s2], $0x2000  }
0x12a: {  	[sflag:s2] =	ssyncset.done $0x0  }
0x12b: {  	[sflag:s2] =	ssyncadd.s32 $0xFFFFE000  }
0x12c: {  	_ =	swait.ge [sflag:s2], $0x2000  }
0x12d: {  	[sflag:s2] =	ssyncset.done $0x0  }
0x12e: {  	[sflag:s2] =	ssyncadd.s32 $0xFFFFE000  }
0x12f: {  	_ =	swait.ge [sflag:s2], $0x2000  }
0x130: {  	[sflag:s2] =	ssyncset.done $0x0  }
0x131: {  	[sflag:s2] =	ssyncadd.s32 $0xFFFFE000  }
0x132: {  	_ =	sfence.sel $0x180000  }
0x133: {  	[bflag:$0x0] =	sbarrier.arrive $0xFFFF  }
0x134: {  	p0 =	sne.s32 s25, $0x0;
	_ =	strace $0x90000047  }
0x135: {  	s0 =	sadd.s32 @!p0 $0x100000, s7;
	[bflag:$0x2] =	sbarrier.arrive $0xFFFF  }
0x136: {  	[sflag:s0] =	ssyncadd.tile.s32 @!p0 $0x1;
	_ =	shalt  }
.LBB2_2:
.Ltmp3:
0x137: {  	(pc) =	sbr.rel .LBB2_5-.Ltmp3, $4  }
0x138: {  	_ = 	snop  }
0x139: {  	s7 =	rddreg [dreg:$0x2]  }
0x13a: {  	s31 =	rddreg [dreg:$0x5]  }
0x13b: {  	s25 =	stileid.u32;
	s30 =	rddreg [dreg:$0x6]  }
.Lfunc_end2:
_tile_overlayer_lowered:
.L_overlay_start_2:
0x13c: {  	(tag) =	ssettag $0x2  }
0x13d: {  	s0 =	rddreg [dreg:$0x0];
	s2 =	stileid.u32  }
0x13e: {  	s1 =	rddreg [dreg:$0x1];
	p0 =	sne.s32 s2, $0x0  }
0x13f: {  	s3 =	rddreg [dreg:$0x2];
	[bflag:$0x3] =	sbarrier.arrive $0xFFFF;
	s2 =	simm.s32 @!p0 $0x1C03  }
0x140: {  	[timem:s3], [sflag:s2] =	dma.local @!p0 [hbm:s0], s1  }
0x141: {  	s0 =	simm.s32 @!p0 $0x3  }
0x142: {  	_ =	swait.ge @!p0 [sflag:s0], s1  }
0x143: {  	s1 =	ssub.s32 @!p0 $0x0, s1;
	[sflag:s0] =	ssyncset.done @!p0 $0x0  }
0x144: {  	[sflag:s0] =	ssyncadd.s32 @!p0 s1  }
0x145: {  	[bflag:$0x3] =	sbarrier.arrive $0xFFFF  }
0x146: {  	_ =	shalt  }

</sc_bundles>
